<compile_context>
chip_gen: v7x
topology: tpu7x:2x2x1
jax: 0.10.2.dev20260603
libtpu: 0.0.44.dev20260713+nightly
codegen_flags: <defaults>
</compile_context>

<pallas_src>
import functools
import math

import jax
import jax.numpy as jnp
from jax import lax
from jax.experimental import pallas as pl
from jax.experimental.pallas import tpu as pltpu
from jax.experimental.pallas import tpu_sc as plsc

_DIM = 2048
_NUM_HEADS = 16
_NC = 2
_NS = 16
_NW = _NC * _NS
_GR = 16


def _sc_gather_spmem(x, table):
    batch, seq = x.shape
    _, d = table.shape
    b = batch * seq
    rows_per_w = b // _NW
    n_groups = rows_per_w // _GR
    assert n_groups % 2 == 0 and seq % rows_per_w == 0
    w_per_row = seq // rows_per_w
    mesh = plsc.VectorSubcoreMesh(core_axis_name="c", subcore_axis_name="s")

    @functools.partial(
        pl.kernel,
        out_type=jax.ShapeDtypeStruct((b, d), jnp.float32),
        mesh=mesh,
        scratch_types=[
            pltpu.VMEM((rows_per_w,), jnp.int32),
            [pltpu.VMEM_SHARED((_NS, _GR, d), jnp.float32) for _ in range(2)],
            [pltpu.SemaphoreType.DMA for _ in range(2)],
            [pltpu.SemaphoreType.DMA for _ in range(2)],
        ],
    )
    def gather_kernel(x_hbm, table_hbm, out_hbm, idx_s, bufs, gsems, wsems):
        sid = lax.axis_index("s")
        wid = sid * _NC + lax.axis_index("c")
        base = wid * rows_per_w
        xr = wid // w_per_row
        xc = (wid % w_per_row) * rows_per_w
        pltpu.sync_copy(x_hbm.at[xr, pl.ds(xc, rows_per_w)], idx_s)

        def start_group(g, bi):
            vals = idx_s[pl.ds(g * _GR, _GR)]
            for r in range(_GR):
                pltpu.async_copy(
                    table_hbm.at[pl.ds(vals[r], 1)],
                    bufs[bi].at[sid, pl.ds(r, 1)], gsems[bi],
                )

        def wait_group(bi):
            pltpu.make_async_copy(
                table_hbm.at[pl.ds(0, _GR)], bufs[bi].at[sid], gsems[bi]
            ).wait()

        def start_write(g, bi):
            pltpu.async_copy(
                bufs[bi].at[sid], out_hbm.at[pl.ds(base + g * _GR, _GR)],
                wsems[bi],
            )

        def wait_write(bi):
            pltpu.make_async_copy(
                bufs[bi].at[sid], out_hbm.at[pl.ds(0, _GR)], wsems[bi]
            ).wait()

        start_group(0, 0)

        @pl.loop(0, n_groups, step=2)
        def _(g0):
            @pl.when(g0 > 0)
            def _():
                wait_write(1)

            start_group(g0 + 1, 1)
            wait_group(0)
            start_write(g0, 0)
            wait_group(1)
            start_write(g0 + 1, 1)

            @pl.when(g0 + 2 < n_groups)
            def _():
                wait_write(0)
                start_group(g0 + 2, 0)

        wait_write(0)
        wait_write(1)

    return gather_kernel(x, table)


def _tc_body(t_ref, w1_ref, b1_ref, w2_ref, b2_ref, c_ref, pos_ref):
    half = _DIM // 2
    i = lax.broadcasted_iota(jnp.int32, (4, half), 1).astype(jnp.float32)
    freqs = jnp.exp(i * (-math.log(10000.0) / half))
    args = t_ref[...] * freqs
    emb = jnp.concatenate([jnp.sin(args), jnp.cos(args)], axis=-1)
    h = jnp.dot(emb, w1_ref[...], preferred_element_type=jnp.float32)
    h = h + b1_ref[...]
    h = h * (1.0 / (1.0 + jnp.exp(-h)))
    c = jnp.dot(h, w2_ref[...], preferred_element_type=jnp.float32)
    c_ref[...] = c + b2_ref[...]

    head_dim = _DIM // _NUM_HEADS
    hh = head_dim // 2
    ln = pos_ref.shape[1]
    p = lax.broadcasted_iota(jnp.int32, (ln, hh), 0).astype(jnp.float32)
    fi = lax.broadcasted_iota(jnp.int32, (ln, hh), 1).astype(jnp.float32)
    inv_freq = jnp.exp(fi * (-2.0 * math.log(10000.0) / head_dim))
    fr = p * inv_freq
    emb2 = jnp.concatenate([fr, fr], axis=-1)
    pos_ref[0] = jnp.cos(emb2)
    pos_ref[1] = jnp.sin(emb2)


def _tc_mlp_rotary(t, w1, b1, w2, b2, seq_len):
    head_dim = _DIM // _NUM_HEADS
    return pl.pallas_call(
        _tc_body,
        out_shape=(
            jax.ShapeDtypeStruct((4, _DIM), jnp.float32),
            jax.ShapeDtypeStruct((2, seq_len, head_dim), jnp.float32),
        ),
    )(t, w1, b1, w2, b2)


def kernel(x, t, table, W1, b1, W2, b2):
    batch, seq_len = x.shape
    h = _sc_gather_spmem(x.astype(jnp.int32), table).reshape(batch, seq_len, _DIM)
    c, pos = _tc_mlp_rotary(
        t.reshape(4, 1), W1, b1.reshape(1, _DIM), W2, b2.reshape(1, _DIM), seq_len
    )
    return (h, c, pos)

# --- scband reference (transcript-rebuilt; emitter-appended) ---
"""Pipeline reference for scband-masked-input-layer-18872086298857 (READ-ONLY COPY).

The authoritative reference and input builder live on the scoring server;
editing this copy changes nothing except your own understanding.
"""

import math
import jax, jax.numpy as jnp
import numpy as np

VOCAB = 100000
DIM = 2048
NUM_HEADS = 16
MAX_CTX = 4096


def setup_inputs(seed: int = 0) -> dict:
    key = jax.random.key(seed)
    k1, k2, k3, k4, k5 = jax.random.split(key, 5)
    x = jax.random.randint(k1, (4, 4096), 0, VOCAB)
    t = jax.random.uniform(k2, (4,), dtype=jnp.float32)
    table = jax.random.normal(k3, (VOCAB + 1, DIM), dtype=jnp.float32) * 0.02
    W1 = jax.random.normal(k4, (DIM, DIM), dtype=jnp.float32) * (1.0 / math.sqrt(DIM))
    b1 = jnp.zeros((DIM,), dtype=jnp.float32)
    W2 = jax.random.normal(k5, (DIM, DIM), dtype=jnp.float32) * (1.0 / math.sqrt(DIM))
    b2 = jnp.zeros((DIM,), dtype=jnp.float32)
    return {"x": x, "t": t, "table": table, "W1": W1, "b1": b1, "W2": W2, "b2": b2}


def _time_embed(t, W1, b1, W2, b2):
    half = DIM // 2
    freqs = jnp.exp(-math.log(10000.0) * jnp.arange(half, dtype=jnp.float32) / half)
    args = t[:, None] * freqs[None, :]
    emb = jnp.concatenate([jnp.sin(args), jnp.cos(args)], axis=-1)
    h = emb @ W1 + b1
    h = h * jax.nn.sigmoid(h)  # SiLU
    return h @ W2 + b2


def _rotary(L):
    head_dim = DIM // NUM_HEADS
    inv_freq = 1.0 / (10000.0 ** (jnp.arange(0, head_dim, 2, dtype=jnp.float32) / head_dim))
    pos = jnp.arange(L, dtype=jnp.float32)
    freqs = pos[:, None] * inv_freq[None, :]
    emb = jnp.concatenate([freqs, freqs], axis=-1)
    return jnp.stack([jnp.cos(emb), jnp.sin(emb)])  # [2, L, head_dim]


def reference(x, t, table, W1, b1, W2, b2):
    # h = tok_embed(x) : SparseCore gather from embedding table
    h = jnp.take(table, x, axis=0)
    # c = time_mlp(sinusoidal(t))
    c = _time_embed(t, W1, b1, W2, b2)
    # pos = rotary position embedding table for length L
    pos = _rotary(x.shape[1])
    return (h, c, pos)

if __name__ == "__main__":
    import jax
    _d = setup_inputs()
    print(jax.jit(kernel)(*tuple(_d.values())))

</pallas_src>

<mosaic_0001>
#map = affine_map<(d0, d1) -> (0, 0)>
module attributes {stable_mosaic.version = 14 : i64} {
  func.func @gather_kernel(%arg0: i32, %arg1: i32, %arg2: memref<4x4096xi32, #tpu.memory_space<hbm>>, %arg3: memref<100001x2048xf32, #tpu.memory_space<hbm>>, %arg4: memref<16384x2048xf32, #tpu.memory_space<hbm>>, %arg5: memref<512xi32, #tpu.memory_space<vmem>>, %arg6: memref<16x16x2048xf32, #tpu.memory_space<vmem_shared>>, %arg7: memref<16x16x2048xf32, #tpu.memory_space<vmem_shared>>, %arg8: memref<!tpu.dma_semaphore, #tpu.memory_space<semaphore_mem>>, %arg9: memref<!tpu.dma_semaphore, #tpu.memory_space<semaphore_mem>>, %arg10: memref<!tpu.dma_semaphore, #tpu.memory_space<semaphore_mem>>, %arg11: memref<!tpu.dma_semaphore, #tpu.memory_space<semaphore_mem>>) attributes {dimension_semantics = [#tpu.dimension_semantics<core_parallel>, #tpu.dimension_semantics<subcore_parallel>], iteration_bounds = array<i64: 2, 16>, scalar_prefetch = 0 : i64, scratch_operands = 7 : i64, tpu.core_type = #tpu.core_type<sc_vector_subcore>, window_params = [{transform_indices = #map}, {transform_indices = #map}, {transform_indices = #map}]} {
    %mul3A = arith.constant 2 : i32
    %mul3A_0 = arith.muli %arg1, %mul3A : i32
    %add3A = arith.addi %mul3A_0, %arg0 : i32
    %mul3A_1 = arith.constant 512 : i32
    %mul3A_2 = arith.muli %add3A, %mul3A_1 : i32
    %jit3A = arith.constant 8 : i32
    %div3A = arith.divsi %add3A, %jit3A : i32
    %sign3A = arith.constant 0 : i32
    %sign3A_3 = arith.cmpi sgt, %add3A, %sign3A : i32
    %sign3A_4 = arith.extui %sign3A_3 : i1 to i32
    %sign3A_5 = arith.constant 0 : i32
    %sign3A_6 = arith.cmpi slt, %add3A, %sign3A_5 : i32
    %sign3A_7 = arith.extui %sign3A_6 : i1 to i32
    %sign3A_8 = arith.subi %sign3A_4, %sign3A_7 : i32
    %sign3A_9 = arith.constant 0 : i32
    %sign3A_10 = arith.cmpi sgt, %jit3A, %sign3A_9 : i32
    %sign3A_11 = arith.extui %sign3A_10 : i1 to i32
    %sign3A_12 = arith.constant 0 : i32
    %sign3A_13 = arith.cmpi slt, %jit3A, %sign3A_12 : i32
    %sign3A_14 = arith.extui %sign3A_13 : i1 to i32
    %sign3A_15 = arith.subi %sign3A_11, %sign3A_14 : i32
    %ne3A = arith.cmpi ne, %sign3A_8, %sign3A_15 : i32
    %rem3A = arith.remsi %add3A, %jit3A : i32
    %ne3A_16 = arith.constant 0 : i32
    %ne3A_17 = arith.cmpi ne, %rem3A, %ne3A_16 : i32
    %and3A = arith.andi %ne3A, %ne3A_17 : i1
    %sub3A = arith.constant 1 : i32
    %sub3A_18 = arith.subi %div3A, %sub3A : i32
    %select_n3A = arith.select %and3A, %sub3A_18, %div3A : i32
    %jit3A_19 = arith.constant 8 : i32
    %eq3A = arith.constant 0 : i32
    %eq3A_20 = arith.cmpi eq, %jit3A_19, %eq3A : i32
    %jit3A_21 = arith.constant 1 : i32
    %select_n3A_22 = arith.select %eq3A_20, %jit3A_21, %jit3A_19 : i32
    %rem3A_23 = arith.remsi %add3A, %select_n3A_22 : i32
    %ne3A_24 = arith.constant 0 : i32
    %ne3A_25 = arith.cmpi ne, %rem3A_23, %ne3A_24 : i32
    %lt3A = arith.constant 0 : i32
    %lt3A_26 = arith.cmpi slt, %rem3A_23, %lt3A : i32
    %lt3A_27 = arith.constant 0 : i32
    %lt3A_28 = arith.cmpi slt, %select_n3A_22, %lt3A_27 : i32
    %ne3A_29 = arith.xori %lt3A_26, %lt3A_28 : i1
    %and3A_30 = arith.andi %ne3A_29, %ne3A_25 : i1
    %add3A_31 = arith.addi %rem3A_23, %select_n3A_22 : i32
    %select_n3A_32 = arith.select %and3A_30, %add3A_31, %rem3A_23 : i32
    %mul3A_33 = arith.constant 512 : i32
    %mul3A_34 = arith.muli %select_n3A_32, %mul3A_33 : i32
    "tpu.region"() ({
      %run_scoped3A = tpu.sem_alloc : memref<!tpu.dma_semaphore, #tpu.memory_space<semaphore_mem>>
      %dma_start3A_179 = tpu.memref_slice %arg2[%select_n3A, %mul3A_34] : memref<4x4096xi32, #tpu.memory_space<hbm>> -> memref<1x512xi32, #tpu.memory_space<hbm>>
      %dma_start3A_180 = tpu.memref_squeeze %dma_start3A_179 : memref<1x512xi32, #tpu.memory_space<hbm>> -> memref<512xi32, #tpu.memory_space<hbm>>
      %dma_start3A_181 = tpu.memref_slice %arg2[%select_n3A, %mul3A_34] : memref<4x4096xi32, #tpu.memory_space<hbm>> -> memref<1x512xi32, #tpu.memory_space<hbm>>
      %dma_start3A_182 = tpu.memref_squeeze %dma_start3A_181 : memref<1x512xi32, #tpu.memory_space<hbm>> -> memref<512xi32, #tpu.memory_space<hbm>>
      tpu.enqueue_dma source(%dma_start3A_182 : memref<512xi32, #tpu.memory_space<hbm>>) target(%arg5 : memref<512xi32, #tpu.memory_space<vmem>>) target_semaphore(%run_scoped3A : memref<!tpu.dma_semaphore, #tpu.memory_space<semaphore_mem>>)
      %dma_wait3A_183 = tpu.memref_slice %arg2[%select_n3A, %mul3A_34] : memref<4x4096xi32, #tpu.memory_space<hbm>> -> memref<1x512xi32, #tpu.memory_space<hbm>>
      %dma_wait3A_184 = tpu.memref_squeeze %dma_wait3A_183 : memref<1x512xi32, #tpu.memory_space<hbm>> -> memref<512xi32, #tpu.memory_space<hbm>>
      %dma_wait3A_185 = tpu.memref_slice %arg2[%select_n3A, %mul3A_34] : memref<4x4096xi32, #tpu.memory_space<hbm>> -> memref<1x512xi32, #tpu.memory_space<hbm>>
      %dma_wait3A_186 = tpu.memref_squeeze %dma_wait3A_185 : memref<1x512xi32, #tpu.memory_space<hbm>> -> memref<512xi32, #tpu.memory_space<hbm>>
      tpu.wait_dma2 semaphore(%run_scoped3A : memref<!tpu.dma_semaphore, #tpu.memory_space<semaphore_mem>>) src(%dma_wait3A_186 : memref<512xi32, #tpu.memory_space<hbm>>) dst(%arg5 : memref<512xi32, #tpu.memory_space<vmem>>)
      tpu.yield
    }) : () -> ()
    %get3A = arith.constant 0 : index
    %get3A_35 = tpu.vector_load %arg5[%get3A] {strides = array<i32>} : memref<512xi32, #tpu.memory_space<vmem>>, vector<16xi32>,
    %get3A_36 = vector.shape_cast %get3A_35 : vector<16xi32> to vector<16xi32>
    %slice3A = vector.extract_strided_slice %get3A_36 {offsets = [0], sizes = [1], strides = [1]} : vector<16xi32> to vector<1xi32>
    %squeeze3A = vector.extract %slice3A[0] : i32 from vector<1xi32>
    %dma_start3A = arith.constant 0 : i32
    %dma_start3A_37 = arith.constant 0 : i32
    %dma_start3A_38 = tpu.memref_slice %arg6[%arg1, %dma_start3A, %dma_start3A_37] : memref<16x16x2048xf32, #tpu.memory_space<vmem_shared>> -> memref<1x1x2048xf32, #tpu.memory_space<vmem_shared>>
    %dma_start3A_39 = tpu.memref_squeeze %dma_start3A_38 : memref<1x1x2048xf32, #tpu.memory_space<vmem_shared>> -> memref<1x2048xf32, #tpu.memory_space<vmem_shared>>
    %dma_start3A_40 = arith.constant 0 : i32
    %dma_start3A_41 = tpu.memref_slice %arg3[%squeeze3A, %dma_start3A_40] : memref<100001x2048xf32, #tpu.memory_space<hbm>> -> memref<1x2048xf32, #tpu.memory_space<hbm>>
    tpu.enqueue_dma source(%dma_start3A_41 : memref<1x2048xf32, #tpu.memory_space<hbm>>) target(%dma_start3A_39 : memref<1x2048xf32, #tpu.memory_space<vmem_shared>>) target_semaphore(%arg8 : memref<!tpu.dma_semaphore, #tpu.memory_space<semaphore_mem>>)
    %slice3A_42 = vector.extract_strided_slice %get3A_36 {offsets = [1], sizes = [1], strides = [1]} : vector<16xi32> to vector<1xi32>
    %squeeze3A_43 = vector.extract %slice3A_42[0] : i32 from vector<1xi32>
    %dma_start3A_44 = arith.constant 1 : i32
    %dma_start3A_45 = arith.constant 0 : i32
    %dma_start3A_46 = tpu.memref_slice %arg6[%arg1, %dma_start3A_44, %dma_start3A_45] : memref<16x16x2048xf32, #tpu.memory_space<vmem_shared>> -> memref<1x1x2048xf32, #tpu.memory_space<vmem_shared>>
    %dma_start3A_47 = tpu.memref_squeeze %dma_start3A_46 : memref<1x1x2048xf32, #tpu.memory_space<vmem_shared>> -> memref<1x2048xf32, #tpu.memory_space<vmem_shared>>
    %dma_start3A_48 = arith.constant 0 : i32
    %dma_start3A_49 = tpu.memref_slice %arg3[%squeeze3A_43, %dma_start3A_48] : memref<100001x2048xf32, #tpu.memory_space<hbm>> -> memref<1x2048xf32, #tpu.memory_space<hbm>>
    tpu.enqueue_dma source(%dma_start3A_49 : memref<1x2048xf32, #tpu.memory_space<hbm>>) target(%dma_start3A_47 : memref<1x2048xf32, #tpu.memory_space<vmem_shared>>) target_semaphore(%arg8 : memref<!tpu.dma_semaphore, #tpu.memory_space<semaphore_mem>>)
    %slice3A_50 = vector.extract_strided_slice %get3A_36 {offsets = [2], sizes = [1], strides = [1]} : vector<16xi32> to vector<1xi32>
    %squeeze3A_51 = vector.extract %slice3A_50[0] : i32 from vector<1xi32>
    %dma_start3A_52 = arith.constant 2 : i32
    %dma_start3A_53 = arith.constant 0 : i32
    %dma_start3A_54 = tpu.memref_slice %arg6[%arg1, %dma_start3A_52, %dma_start3A_53] : memref<16x16x2048xf32, #tpu.memory_space<vmem_shared>> -> memref<1x1x2048xf32, #tpu.memory_space<vmem_shared>>
    %dma_start3A_55 = tpu.memref_squeeze %dma_start3A_54 : memref<1x1x2048xf32, #tpu.memory_space<vmem_shared>> -> memref<1x2048xf32, #tpu.memory_space<vmem_shared>>
    %dma_start3A_56 = arith.constant 0 : i32
    %dma_start3A_57 = tpu.memref_slice %arg3[%squeeze3A_51, %dma_start3A_56] : memref<100001x2048xf32, #tpu.memory_space<hbm>> -> memref<1x2048xf32, #tpu.memory_space<hbm>>
    tpu.enqueue_dma source(%dma_start3A_57 : memref<1x2048xf32, #tpu.memory_space<hbm>>) target(%dma_start3A_55 : memref<1x2048xf32, #tpu.memory_space<vmem_shared>>) target_semaphore(%arg8 : memref<!tpu.dma_semaphore, #tpu.memory_space<semaphore_mem>>)
    %slice3A_58 = vector.extract_strided_slice %get3A_36 {offsets = [3], sizes = [1], strides = [1]} : vector<16xi32> to vector<1xi32>
    %squeeze3A_59 = vector.extract %slice3A_58[0] : i32 from vector<1xi32>
    %dma_start3A_60 = arith.constant 3 : i32
    %dma_start3A_61 = arith.constant 0 : i32
    %dma_start3A_62 = tpu.memref_slice %arg6[%arg1, %dma_start3A_60, %dma_start3A_61] : memref<16x16x2048xf32, #tpu.memory_space<vmem_shared>> -> memref<1x1x2048xf32, #tpu.memory_space<vmem_shared>>
    %dma_start3A_63 = tpu.memref_squeeze %dma_start3A_62 : memref<1x1x2048xf32, #tpu.memory_space<vmem_shared>> -> memref<1x2048xf32, #tpu.memory_space<vmem_shared>>
    %dma_start3A_64 = arith.constant 0 : i32
    %dma_start3A_65 = tpu.memref_slice %arg3[%squeeze3A_59, %dma_start3A_64] : memref<100001x2048xf32, #tpu.memory_space<hbm>> -> memref<1x2048xf32, #tpu.memory_space<hbm>>
    tpu.enqueue_dma source(%dma_start3A_65 : memref<1x2048xf32, #tpu.memory_space<hbm>>) target(%dma_start3A_63 : memref<1x2048xf32, #tpu.memory_space<vmem_shared>>) target_semaphore(%arg8 : memref<!tpu.dma_semaphore, #tpu.memory_space<semaphore_mem>>)
    %slice3A_66 = vector.extract_strided_slice %get3A_36 {offsets = [4], sizes = [1], strides = [1]} : vector<16xi32> to vector<1xi32>
    %squeeze3A_67 = vector.extract %slice3A_66[0] : i32 from vector<1xi32>
    %dma_start3A_68 = arith.constant 4 : i32
    %dma_start3A_69 = arith.constant 0 : i32
    %dma_start3A_70 = tpu.memref_slice %arg6[%arg1, %dma_start3A_68, %dma_start3A_69] : memref<16x16x2048xf32, #tpu.memory_space<vmem_shared>> -> memref<1x1x2048xf32, #tpu.memory_space<vmem_shared>>
    %dma_start3A_71 = tpu.memref_squeeze %dma_start3A_70 : memref<1x1x2048xf32, #tpu.memory_space<vmem_shared>> -> memref<1x2048xf32, #tpu.memory_space<vmem_shared>>
    %dma_start3A_72 = arith.constant 0 : i32
    %dma_start3A_73 = tpu.memref_slice %arg3[%squeeze3A_67, %dma_start3A_72] : memref<100001x2048xf32, #tpu.memory_space<hbm>> -> memref<1x2048xf32, #tpu.memory_space<hbm>>
    tpu.enqueue_dma source(%dma_start3A_73 : memref<1x2048xf32, #tpu.memory_space<hbm>>) target(%dma_start3A_71 : memref<1x2048xf32, #tpu.memory_space<vmem_shared>>) target_semaphore(%arg8 : memref<!tpu.dma_semaphore, #tpu.memory_space<semaphore_mem>>)
    %slice3A_74 = vector.extract_strided_slice %get3A_36 {offsets = [5], sizes = [1], strides = [1]} : vector<16xi32> to vector<1xi32>
    %squeeze3A_75 = vector.extract %slice3A_74[0] : i32 from vector<1xi32>
    %dma_start3A_76 = arith.constant 5 : i32
    %dma_start3A_77 = arith.constant 0 : i32
    %dma_start3A_78 = tpu.memref_slice %arg6[%arg1, %dma_start3A_76, %dma_start3A_77] : memref<16x16x2048xf32, #tpu.memory_space<vmem_shared>> -> memref<1x1x2048xf32, #tpu.memory_space<vmem_shared>>
    %dma_start3A_79 = tpu.memref_squeeze %dma_start3A_78 : memref<1x1x2048xf32, #tpu.memory_space<vmem_shared>> -> memref<1x2048xf32, #tpu.memory_space<vmem_shared>>
    %dma_start3A_80 = arith.constant 0 : i32
    %dma_start3A_81 = tpu.memref_slice %arg3[%squeeze3A_75, %dma_start3A_80] : memref<100001x2048xf32, #tpu.memory_space<hbm>> -> memref<1x2048xf32, #tpu.memory_space<hbm>>
    tpu.enqueue_dma source(%dma_start3A_81 : memref<1x2048xf32, #tpu.memory_space<hbm>>) target(%dma_start3A_79 : memref<1x2048xf32, #tpu.memory_space<vmem_shared>>) target_semaphore(%arg8 : memref<!tpu.dma_semaphore, #tpu.memory_space<semaphore_mem>>)
    %slice3A_82 = vector.extract_strided_slice %get3A_36 {offsets = [6], sizes = [1], strides = [1]} : vector<16xi32> to vector<1xi32>
    %squeeze3A_83 = vector.extract %slice3A_82[0] : i32 from vector<1xi32>
    %dma_start3A_84 = arith.constant 6 : i32
    %dma_start3A_85 = arith.constant 0 : i32
    %dma_start3A_86 = tpu.memref_slice %arg6[%arg1, %dma_start3A_84, %dma_start3A_85] : memref<16x16x2048xf32, #tpu.memory_space<vmem_shared>> -> memref<1x1x2048xf32, #tpu.memory_space<vmem_shared>>
    %dma_start3A_87 = tpu.memref_squeeze %dma_start3A_86 : memref<1x1x2048xf32, #tpu.memory_space<vmem_shared>> -> memref<1x2048xf32, #tpu.memory_space<vmem_shared>>
    %dma_start3A_88 = arith.constant 0 : i32
    %dma_start3A_89 = tpu.memref_slice %arg3[%squeeze3A_83, %dma_start3A_88] : memref<100001x2048xf32, #tpu.memory_space<hbm>> -> memref<1x2048xf32, #tpu.memory_space<hbm>>
    tpu.enqueue_dma source(%dma_start3A_89 : memref<1x2048xf32, #tpu.memory_space<hbm>>) target(%dma_start3A_87 : memref<1x2048xf32, #tpu.memory_space<vmem_shared>>) target_semaphore(%arg8 : memref<!tpu.dma_semaphore, #tpu.memory_space<semaphore_mem>>)
    %slice3A_90 = vector.extract_strided_slice %get3A_36 {offsets = [7], sizes = [1], strides = [1]} : vector<16xi32> to vector<1xi32>
    %squeeze3A_91 = vector.extract %slice3A_90[0] : i32 from vector<1xi32>
    %dma_start3A_92 = arith.constant 7 : i32
    %dma_start3A_93 = arith.constant 0 : i32
    %dma_start3A_94 = tpu.memref_slice %arg6[%arg1, %dma_start3A_92, %dma_start3A_93] : memref<16x16x2048xf32, #tpu.memory_space<vmem_shared>> -> memref<1x1x2048xf32, #tpu.memory_space<vmem_shared>>
    %dma_start3A_95 = tpu.memref_squeeze %dma_start3A_94 : memref<1x1x2048xf32, #tpu.memory_space<vmem_shared>> -> memref<1x2048xf32, #tpu.memory_space<vmem_shared>>
    %dma_start3A_96 = arith.constant 0 : i32
    %dma_start3A_97 = tpu.memref_slice %arg3[%squeeze3A_91, %dma_start3A_96] : memref<100001x2048xf32, #tpu.memory_space<hbm>> -> memref<1x2048xf32, #tpu.memory_space<hbm>>
    tpu.enqueue_dma source(%dma_start3A_97 : memref<1x2048xf32, #tpu.memory_space<hbm>>) target(%dma_start3A_95 : memref<1x2048xf32, #tpu.memory_space<vmem_shared>>) target_semaphore(%arg8 : memref<!tpu.dma_semaphore, #tpu.memory_space<semaphore_mem>>)
    %slice3A_98 = vector.extract_strided_slice %get3A_36 {offsets = [8], sizes = [1], strides = [1]} : vector<16xi32> to vector<1xi32>
    %squeeze3A_99 = vector.extract %slice3A_98[0] : i32 from vector<1xi32>
    %dma_start3A_100 = arith.constant 8 : i32
    %dma_start3A_101 = arith.constant 0 : i32
    %dma_start3A_102 = tpu.memref_slice %arg6[%arg1, %dma_start3A_100, %dma_start3A_101] : memref<16x16x2048xf32, #tpu.memory_space<vmem_shared>> -> memref<1x1x2048xf32, #tpu.memory_space<vmem_shared>>
    %dma_start3A_103 = tpu.memref_squeeze %dma_start3A_102 : memref<1x1x2048xf32, #tpu.memory_space<vmem_shared>> -> memref<1x2048xf32, #tpu.memory_space<vmem_shared>>
    %dma_start3A_104 = arith.constant 0 : i32
    %dma_start3A_105 = tpu.memref_slice %arg3[%squeeze3A_99, %dma_start3A_104] : memref<100001x2048xf32, #tpu.memory_space<hbm>> -> memref<1x2048xf32, #tpu.memory_space<hbm>>
    tpu.enqueue_dma source(%dma_start3A_105 : memref<1x2048xf32, #tpu.memory_space<hbm>>) target(%dma_start3A_103 : memref<1x2048xf32, #tpu.memory_space<vmem_shared>>) target_semaphore(%arg8 : memref<!tpu.dma_semaphore, #tpu.memory_space<semaphore_mem>>)
    %slice3A_106 = vector.extract_strided_slice %get3A_36 {offsets = [9], sizes = [1], strides = [1]} : vector<16xi32> to vector<1xi32>
    %squeeze3A_107 = vector.extract %slice3A_106[0] : i32 from vector<1xi32>
    %dma_start3A_108 = arith.constant 9 : i32
    %dma_start3A_109 = arith.constant 0 : i32
    %dma_start3A_110 = tpu.memref_slice %arg6[%arg1, %dma_start3A_108, %dma_start3A_109] : memref<16x16x2048xf32, #tpu.memory_space<vmem_shared>> -> memref<1x1x2048xf32, #tpu.memory_space<vmem_shared>>
    %dma_start3A_111 = tpu.memref_squeeze %dma_start3A_110 : memref<1x1x2048xf32, #tpu.memory_space<vmem_shared>> -> memref<1x2048xf32, #tpu.memory_space<vmem_shared>>
    %dma_start3A_112 = arith.constant 0 : i32
    %dma_start3A_113 = tpu.memref_slice %arg3[%squeeze3A_107, %dma_start3A_112] : memref<100001x2048xf32, #tpu.memory_space<hbm>> -> memref<1x2048xf32, #tpu.memory_space<hbm>>
    tpu.enqueue_dma source(%dma_start3A_113 : memref<1x2048xf32, #tpu.memory_space<hbm>>) target(%dma_start3A_111 : memref<1x2048xf32, #tpu.memory_space<vmem_shared>>) target_semaphore(%arg8 : memref<!tpu.dma_semaphore, #tpu.memory_space<semaphore_mem>>)
    %slice3A_114 = vector.extract_strided_slice %get3A_36 {offsets = [10], sizes = [1], strides = [1]} : vector<16xi32> to vector<1xi32>
    %squeeze3A_115 = vector.extract %slice3A_114[0] : i32 from vector<1xi32>
    %dma_start3A_116 = arith.constant 10 : i32
    %dma_start3A_117 = arith.constant 0 : i32
    %dma_start3A_118 = tpu.memref_slice %arg6[%arg1, %dma_start3A_116, %dma_start3A_117] : memref<16x16x2048xf32, #tpu.memory_space<vmem_shared>> -> memref<1x1x2048xf32, #tpu.memory_space<vmem_shared>>
    %dma_start3A_119 = tpu.memref_squeeze %dma_start3A_118 : memref<1x1x2048xf32, #tpu.memory_space<vmem_shared>> -> memref<1x2048xf32, #tpu.memory_space<vmem_shared>>
    %dma_start3A_120 = arith.constant 0 : i32
    %dma_start3A_121 = tpu.memref_slice %arg3[%squeeze3A_115, %dma_start3A_120] : memref<100001x2048xf32, #tpu.memory_space<hbm>> -> memref<1x2048xf32, #tpu.memory_space<hbm>>
    tpu.enqueue_dma source(%dma_start3A_121 : memref<1x2048xf32, #tpu.memory_space<hbm>>) target(%dma_start3A_119 : memref<1x2048xf32, #tpu.memory_space<vmem_shared>>) target_semaphore(%arg8 : memref<!tpu.dma_semaphore, #tpu.memory_space<semaphore_mem>>)
    %slice3A_122 = vector.extract_strided_slice %get3A_36 {offsets = [11], sizes = [1], strides = [1]} : vector<16xi32> to vector<1xi32>
    %squeeze3A_123 = vector.extract %slice3A_122[0] : i32 from vector<1xi32>
    %dma_start3A_124 = arith.constant 11 : i32
    %dma_start3A_125 = arith.constant 0 : i32
    %dma_start3A_126 = tpu.memref_slice %arg6[%arg1, %dma_start3A_124, %dma_start3A_125] : memref<16x16x2048xf32, #tpu.memory_space<vmem_shared>> -> memref<1x1x2048xf32, #tpu.memory_space<vmem_shared>>
    %dma_start3A_127 = tpu.memref_squeeze %dma_start3A_126 : memref<1x1x2048xf32, #tpu.memory_space<vmem_shared>> -> memref<1x2048xf32, #tpu.memory_space<vmem_shared>>
    %dma_start3A_128 = arith.constant 0 : i32
    %dma_start3A_129 = tpu.memref_slice %arg3[%squeeze3A_123, %dma_start3A_128] : memref<100001x2048xf32, #tpu.memory_space<hbm>> -> memref<1x2048xf32, #tpu.memory_space<hbm>>
    tpu.enqueue_dma source(%dma_start3A_129 : memref<1x2048xf32, #tpu.memory_space<hbm>>) target(%dma_start3A_127 : memref<1x2048xf32, #tpu.memory_space<vmem_shared>>) target_semaphore(%arg8 : memref<!tpu.dma_semaphore, #tpu.memory_space<semaphore_mem>>)
    %slice3A_130 = vector.extract_strided_slice %get3A_36 {offsets = [12], sizes = [1], strides = [1]} : vector<16xi32> to vector<1xi32>
    %squeeze3A_131 = vector.extract %slice3A_130[0] : i32 from vector<1xi32>
    %dma_start3A_132 = arith.constant 12 : i32
    %dma_start3A_133 = arith.constant 0 : i32
    %dma_start3A_134 = tpu.memref_slice %arg6[%arg1, %dma_start3A_132, %dma_start3A_133] : memref<16x16x2048xf32, #tpu.memory_space<vmem_shared>> -> memref<1x1x2048xf32, #tpu.memory_space<vmem_shared>>
    %dma_start3A_135 = tpu.memref_squeeze %dma_start3A_134 : memref<1x1x2048xf32, #tpu.memory_space<vmem_shared>> -> memref<1x2048xf32, #tpu.memory_space<vmem_shared>>
    %dma_start3A_136 = arith.constant 0 : i32
    %dma_start3A_137 = tpu.memref_slice %arg3[%squeeze3A_131, %dma_start3A_136] : memref<100001x2048xf32, #tpu.memory_space<hbm>> -> memref<1x2048xf32, #tpu.memory_space<hbm>>
    tpu.enqueue_dma source(%dma_start3A_137 : memref<1x2048xf32, #tpu.memory_space<hbm>>) target(%dma_start3A_135 : memref<1x2048xf32, #tpu.memory_space<vmem_shared>>) target_semaphore(%arg8 : memref<!tpu.dma_semaphore, #tpu.memory_space<semaphore_mem>>)
    %slice3A_138 = vector.extract_strided_slice %get3A_36 {offsets = [13], sizes = [1], strides = [1]} : vector<16xi32> to vector<1xi32>
    %squeeze3A_139 = vector.extract %slice3A_138[0] : i32 from vector<1xi32>
    %dma_start3A_140 = arith.constant 13 : i32
    %dma_start3A_141 = arith.constant 0 : i32
    %dma_start3A_142 = tpu.memref_slice %arg6[%arg1, %dma_start3A_140, %dma_start3A_141] : memref<16x16x2048xf32, #tpu.memory_space<vmem_shared>> -> memref<1x1x2048xf32, #tpu.memory_space<vmem_shared>>
    %dma_start3A_143 = tpu.memref_squeeze %dma_start3A_142 : memref<1x1x2048xf32, #tpu.memory_space<vmem_shared>> -> memref<1x2048xf32, #tpu.memory_space<vmem_shared>>
    %dma_start3A_144 = arith.constant 0 : i32
    %dma_start3A_145 = tpu.memref_slice %arg3[%squeeze3A_139, %dma_start3A_144] : memref<100001x2048xf32, #tpu.memory_space<hbm>> -> memref<1x2048xf32, #tpu.memory_space<hbm>>
    tpu.enqueue_dma source(%dma_start3A_145 : memref<1x2048xf32, #tpu.memory_space<hbm>>) target(%dma_start3A_143 : memref<1x2048xf32, #tpu.memory_space<vmem_shared>>) target_semaphore(%arg8 : memref<!tpu.dma_semaphore, #tpu.memory_space<semaphore_mem>>)
    %slice3A_146 = vector.extract_strided_slice %get3A_36 {offsets = [14], sizes = [1], strides = [1]} : vector<16xi32> to vector<1xi32>
    %squeeze3A_147 = vector.extract %slice3A_146[0] : i32 from vector<1xi32>
    %dma_start3A_148 = arith.constant 14 : i32
    %dma_start3A_149 = arith.constant 0 : i32
    %dma_start3A_150 = tpu.memref_slice %arg6[%arg1, %dma_start3A_148, %dma_start3A_149] : memref<16x16x2048xf32, #tpu.memory_space<vmem_shared>> -> memref<1x1x2048xf32, #tpu.memory_space<vmem_shared>>
    %dma_start3A_151 = tpu.memref_squeeze %dma_start3A_150 : memref<1x1x2048xf32, #tpu.memory_space<vmem_shared>> -> memref<1x2048xf32, #tpu.memory_space<vmem_shared>>
    %dma_start3A_152 = arith.constant 0 : i32
    %dma_start3A_153 = tpu.memref_slice %arg3[%squeeze3A_147, %dma_start3A_152] : memref<100001x2048xf32, #tpu.memory_space<hbm>> -> memref<1x2048xf32, #tpu.memory_space<hbm>>
    tpu.enqueue_dma source(%dma_start3A_153 : memref<1x2048xf32, #tpu.memory_space<hbm>>) target(%dma_start3A_151 : memref<1x2048xf32, #tpu.memory_space<vmem_shared>>) target_semaphore(%arg8 : memref<!tpu.dma_semaphore, #tpu.memory_space<semaphore_mem>>)
    %slice3A_154 = vector.extract_strided_slice %get3A_36 {offsets = [15], sizes = [1], strides = [1]} : vector<16xi32> to vector<1xi32>
    %squeeze3A_155 = vector.extract %slice3A_154[0] : i32 from vector<1xi32>
    %dma_start3A_156 = arith.constant 15 : i32
    %dma_start3A_157 = arith.constant 0 : i32
    %dma_start3A_158 = tpu.memref_slice %arg6[%arg1, %dma_start3A_156, %dma_start3A_157] : memref<16x16x2048xf32, #tpu.memory_space<vmem_shared>> -> memref<1x1x2048xf32, #tpu.memory_space<vmem_shared>>
    %dma_start3A_159 = tpu.memref_squeeze %dma_start3A_158 : memref<1x1x2048xf32, #tpu.memory_space<vmem_shared>> -> memref<1x2048xf32, #tpu.memory_space<vmem_shared>>
    %dma_start3A_160 = arith.constant 0 : i32
    %dma_start3A_161 = tpu.memref_slice %arg3[%squeeze3A_155, %dma_start3A_160] : memref<100001x2048xf32, #tpu.memory_space<hbm>> -> memref<1x2048xf32, #tpu.memory_space<hbm>>
    tpu.enqueue_dma source(%dma_start3A_161 : memref<1x2048xf32, #tpu.memory_space<hbm>>) target(%dma_start3A_159 : memref<1x2048xf32, #tpu.memory_space<vmem_shared>>) target_semaphore(%arg8 : memref<!tpu.dma_semaphore, #tpu.memory_space<semaphore_mem>>)
    %scan3A = arith.constant 0 : i32
    %scan3A_162 = arith.constant 16 : i32
    %scan3A_163 = arith.addi %scan3A, %scan3A_162 : i32
    %scan3A_164 = arith.constant 1 : i32
    scf.for %scan3A_179 = %scan3A to %scan3A_163 step %scan3A_164  : i32 {
      %mul3A_180 = arith.constant 2 : i32
      %mul3A_181 = arith.muli %scan3A_179, %mul3A_180 : i32
      %add3A_182 = arith.constant 0 : i32
      %add3A_183 = arith.addi %add3A_182, %mul3A_181 : i32
      %gt3A = arith.constant 0 : i32
      %gt3A_184 = arith.cmpi sgt, %add3A_183, %gt3A : i32
      %convert_element_type3A = arith.extui %gt3A_184 : i1 to i32
      %cond3A = arith.constant 0 : i32
      %cond3A_185 = arith.cmpi ne, %convert_element_type3A, %cond3A : i32
      scf.if %cond3A_185 {
        %dma_wait3A_362 = arith.constant 0 : i32
        %dma_wait3A_363 = arith.constant 0 : i32
        %dma_wait3A_364 = tpu.memref_slice %arg4[%dma_wait3A_362, %dma_wait3A_363] : memref<16384x2048xf32, #tpu.memory_space<hbm>> -> memref<16x2048xf32, #tpu.memory_space<hbm>>
        %dma_wait3A_365 = arith.constant 0 : i32
        %dma_wait3A_366 = arith.constant 0 : i32
        %dma_wait3A_367 = tpu.memref_slice %arg7[%arg1, %dma_wait3A_365, %dma_wait3A_366] : memref<16x16x2048xf32, #tpu.memory_space<vmem_shared>> -> memref<1x16x2048xf32, #tpu.memory_space<vmem_shared>>
        %dma_wait3A_368 = tpu.memref_squeeze %dma_wait3A_367 : memref<1x16x2048xf32, #tpu.memory_space<vmem_shared>> -> memref<16x2048xf32, #tpu.memory_space<vmem_shared>>
        tpu.wait_dma2 semaphore(%arg11 : memref<!tpu.dma_semaphore, #tpu.memory_space<semaphore_mem>>) src(%dma_wait3A_368 : memref<16x2048xf32, #tpu.memory_space<vmem_shared>>) dst(%dma_wait3A_364 : memref<16x2048xf32, #tpu.memory_space<hbm>>)
      } else {
      }
      %add3A_186 = arith.constant 1 : i32
      %add3A_187 = arith.addi %add3A_183, %add3A_186 : i32
      %mul3A_188 = arith.constant 16 : i32
      %mul3A_189 = arith.muli %add3A_187, %mul3A_188 : i32
      %get3A_190 = arith.index_cast %mul3A_189 : i32 to index
      %get3A_191 = tpu.vector_load %arg5[%get3A_190] {strides = array<i32>} : memref<512xi32, #tpu.memory_space<vmem>>, vector<16xi32>,
      %get3A_192 = vector.shape_cast %get3A_191 : vector<16xi32> to vector<16xi32>
      %slice3A_193 = vector.extract_strided_slice %get3A_192 {offsets = [0], sizes = [1], strides = [1]} : vector<16xi32> to vector<1xi32>
      %squeeze3A_194 = vector.extract %slice3A_193[0] : i32 from vector<1xi32>
      %dma_start3A_195 = arith.constant 0 : i32
      %dma_start3A_196 = arith.constant 0 : i32
      %dma_start3A_197 = tpu.memref_slice %arg7[%arg1, %dma_start3A_195, %dma_start3A_196] : memref<16x16x2048xf32, #tpu.memory_space<vmem_shared>> -> memref<1x1x2048xf32, #tpu.memory_space<vmem_shared>>
      %dma_start3A_198 = tpu.memref_squeeze %dma_start3A_197 : memref<1x1x2048xf32, #tpu.memory_space<vmem_shared>> -> memref<1x2048xf32, #tpu.memory_space<vmem_shared>>
      %dma_start3A_199 = arith.constant 0 : i32
      %dma_start3A_200 = tpu.memref_slice %arg3[%squeeze3A_194, %dma_start3A_199] : memref<100001x2048xf32, #tpu.memory_space<hbm>> -> memref<1x2048xf32, #tpu.memory_space<hbm>>
      tpu.enqueue_dma source(%dma_start3A_200 : memref<1x2048xf32, #tpu.memory_space<hbm>>) target(%dma_start3A_198 : memref<1x2048xf32, #tpu.memory_space<vmem_shared>>) target_semaphore(%arg9 : memref<!tpu.dma_semaphore, #tpu.memory_space<semaphore_mem>>)
      %slice3A_201 = vector.extract_strided_slice %get3A_192 {offsets = [1], sizes = [1], strides = [1]} : vector<16xi32> to vector<1xi32>
      %squeeze3A_202 = vector.extract %slice3A_201[0] : i32 from vector<1xi32>
      %dma_start3A_203 = arith.constant 1 : i32
      %dma_start3A_204 = arith.constant 0 : i32
      %dma_start3A_205 = tpu.memref_slice %arg7[%arg1, %dma_start3A_203, %dma_start3A_204] : memref<16x16x2048xf32, #tpu.memory_space<vmem_shared>> -> memref<1x1x2048xf32, #tpu.memory_space<vmem_shared>>
      %dma_start3A_206 = tpu.memref_squeeze %dma_start3A_205 : memref<1x1x2048xf32, #tpu.memory_space<vmem_shared>> -> memref<1x2048xf32, #tpu.memory_space<vmem_shared>>
      %dma_start3A_207 = arith.constant 0 : i32
      %dma_start3A_208 = tpu.memref_slice %arg3[%squeeze3A_202, %dma_start3A_207] : memref<100001x2048xf32, #tpu.memory_space<hbm>> -> memref<1x2048xf32, #tpu.memory_space<hbm>>
      tpu.enqueue_dma source(%dma_start3A_208 : memref<1x2048xf32, #tpu.memory_space<hbm>>) target(%dma_start3A_206 : memref<1x2048xf32, #tpu.memory_space<vmem_shared>>) target_semaphore(%arg9 : memref<!tpu.dma_semaphore, #tpu.memory_space<semaphore_mem>>)
      %slice3A_209 = vector.extract_strided_slice %get3A_192 {offsets = [2], sizes = [1], strides = [1]} : vector<16xi32> to vector<1xi32>
      %squeeze3A_210 = vector.extract %slice3A_209[0] : i32 from vector<1xi32>
      %dma_start3A_211 = arith.constant 2 : i32
      %dma_start3A_212 = arith.constant 0 : i32
      %dma_start3A_213 = tpu.memref_slice %arg7[%arg1, %dma_start3A_211, %dma_start3A_212] : memref<16x16x2048xf32, #tpu.memory_space<vmem_shared>> -> memref<1x1x2048xf32, #tpu.memory_space<vmem_shared>>
      %dma_start3A_214 = tpu.memref_squeeze %dma_start3A_213 : memref<1x1x2048xf32, #tpu.memory_space<vmem_shared>> -> memref<1x2048xf32, #tpu.memory_space<vmem_shared>>
      %dma_start3A_215 = arith.constant 0 : i32
      %dma_start3A_216 = tpu.memref_slice %arg3[%squeeze3A_210, %dma_start3A_215] : memref<100001x2048xf32, #tpu.memory_space<hbm>> -> memref<1x2048xf32, #tpu.memory_space<hbm>>
      tpu.enqueue_dma source(%dma_start3A_216 : memref<1x2048xf32, #tpu.memory_space<hbm>>) target(%dma_start3A_214 : memref<1x2048xf32, #tpu.memory_space<vmem_shared>>) target_semaphore(%arg9 : memref<!tpu.dma_semaphore, #tpu.memory_space<semaphore_mem>>)
      %slice3A_217 = vector.extract_strided_slice %get3A_192 {offsets = [3], sizes = [1], strides = [1]} : vector<16xi32> to vector<1xi32>
      %squeeze3A_218 = vector.extract %slice3A_217[0] : i32 from vector<1xi32>
      %dma_start3A_219 = arith.constant 3 : i32
      %dma_start3A_220 = arith.constant 0 : i32
      %dma_start3A_221 = tpu.memref_slice %arg7[%arg1, %dma_start3A_219, %dma_start3A_220] : memref<16x16x2048xf32, #tpu.memory_space<vmem_shared>> -> memref<1x1x2048xf32, #tpu.memory_space<vmem_shared>>
      %dma_start3A_222 = tpu.memref_squeeze %dma_start3A_221 : memref<1x1x2048xf32, #tpu.memory_space<vmem_shared>> -> memref<1x2048xf32, #tpu.memory_space<vmem_shared>>
      %dma_start3A_223 = arith.constant 0 : i32
      %dma_start3A_224 = tpu.memref_slice %arg3[%squeeze3A_218, %dma_start3A_223] : memref<100001x2048xf32, #tpu.memory_space<hbm>> -> memref<1x2048xf32, #tpu.memory_space<hbm>>
      tpu.enqueue_dma source(%dma_start3A_224 : memref<1x2048xf32, #tpu.memory_space<hbm>>) target(%dma_start3A_222 : memref<1x2048xf32, #tpu.memory_space<vmem_shared>>) target_semaphore(%arg9 : memref<!tpu.dma_semaphore, #tpu.memory_space<semaphore_mem>>)
      %slice3A_225 = vector.extract_strided_slice %get3A_192 {offsets = [4], sizes = [1], strides = [1]} : vector<16xi32> to vector<1xi32>
      %squeeze3A_226 = vector.extract %slice3A_225[0] : i32 from vector<1xi32>
      %dma_start3A_227 = arith.constant 4 : i32
      %dma_start3A_228 = arith.constant 0 : i32
      %dma_start3A_229 = tpu.memref_slice %arg7[%arg1, %dma_start3A_227, %dma_start3A_228] : memref<16x16x2048xf32, #tpu.memory_space<vmem_shared>> -> memref<1x1x2048xf32, #tpu.memory_space<vmem_shared>>
      %dma_start3A_230 = tpu.memref_squeeze %dma_start3A_229 : memref<1x1x2048xf32, #tpu.memory_space<vmem_shared>> -> memref<1x2048xf32, #tpu.memory_space<vmem_shared>>
      %dma_start3A_231 = arith.constant 0 : i32
      %dma_start3A_232 = tpu.memref_slice %arg3[%squeeze3A_226, %dma_start3A_231] : memref<100001x2048xf32, #tpu.memory_space<hbm>> -> memref<1x2048xf32, #tpu.memory_space<hbm>>
      tpu.enqueue_dma source(%dma_start3A_232 : memref<1x2048xf32, #tpu.memory_space<hbm>>) target(%dma_start3A_230 : memref<1x2048xf32, #tpu.memory_space<vmem_shared>>) target_semaphore(%arg9 : memref<!tpu.dma_semaphore, #tpu.memory_space<semaphore_mem>>)
      %slice3A_233 = vector.extract_strided_slice %get3A_192 {offsets = [5], sizes = [1], strides = [1]} : vector<16xi32> to vector<1xi32>
      %squeeze3A_234 = vector.extract %slice3A_233[0] : i32 from vector<1xi32>
      %dma_start3A_235 = arith.constant 5 : i32
      %dma_start3A_236 = arith.constant 0 : i32
      %dma_start3A_237 = tpu.memref_slice %arg7[%arg1, %dma_start3A_235, %dma_start3A_236] : memref<16x16x2048xf32, #tpu.memory_space<vmem_shared>> -> memref<1x1x2048xf32, #tpu.memory_space<vmem_shared>>
      %dma_start3A_238 = tpu.memref_squeeze %dma_start3A_237 : memref<1x1x2048xf32, #tpu.memory_space<vmem_shared>> -> memref<1x2048xf32, #tpu.memory_space<vmem_shared>>
      %dma_start3A_239 = arith.constant 0 : i32
      %dma_start3A_240 = tpu.memref_slice %arg3[%squeeze3A_234, %dma_start3A_239] : memref<100001x2048xf32, #tpu.memory_space<hbm>> -> memref<1x2048xf32, #tpu.memory_space<hbm>>
      tpu.enqueue_dma source(%dma_start3A_240 : memref<1x2048xf32, #tpu.memory_space<hbm>>) target(%dma_start3A_238 : memref<1x2048xf32, #tpu.memory_space<vmem_shared>>) target_semaphore(%arg9 : memref<!tpu.dma_semaphore, #tpu.memory_space<semaphore_mem>>)
      %slice3A_241 = vector.extract_strided_slice %get3A_192 {offsets = [6], sizes = [1], strides = [1]} : vector<16xi32> to vector<1xi32>
      %squeeze3A_242 = vector.extract %slice3A_241[0] : i32 from vector<1xi32>
      %dma_start3A_243 = arith.constant 6 : i32
      %dma_start3A_244 = arith.constant 0 : i32
      %dma_start3A_245 = tpu.memref_slice %arg7[%arg1, %dma_start3A_243, %dma_start3A_244] : memref<16x16x2048xf32, #tpu.memory_space<vmem_shared>> -> memref<1x1x2048xf32, #tpu.memory_space<vmem_shared>>
      %dma_start3A_246 = tpu.memref_squeeze %dma_start3A_245 : memref<1x1x2048xf32, #tpu.memory_space<vmem_shared>> -> memref<1x2048xf32, #tpu.memory_space<vmem_shared>>
      %dma_start3A_247 = arith.constant 0 : i32
      %dma_start3A_248 = tpu.memref_slice %arg3[%squeeze3A_242, %dma_start3A_247] : memref<100001x2048xf32, #tpu.memory_space<hbm>> -> memref<1x2048xf32, #tpu.memory_space<hbm>>
      tpu.enqueue_dma source(%dma_start3A_248 : memref<1x2048xf32, #tpu.memory_space<hbm>>) target(%dma_start3A_246 : memref<1x2048xf32, #tpu.memory_space<vmem_shared>>) target_semaphore(%arg9 : memref<!tpu.dma_semaphore, #tpu.memory_space<semaphore_mem>>)
      %slice3A_249 = vector.extract_strided_slice %get3A_192 {offsets = [7], sizes = [1], strides = [1]} : vector<16xi32> to vector<1xi32>
      %squeeze3A_250 = vector.extract %slice3A_249[0] : i32 from vector<1xi32>
      %dma_start3A_251 = arith.constant 7 : i32
      %dma_start3A_252 = arith.constant 0 : i32
      %dma_start3A_253 = tpu.memref_slice %arg7[%arg1, %dma_start3A_251, %dma_start3A_252] : memref<16x16x2048xf32, #tpu.memory_space<vmem_shared>> -> memref<1x1x2048xf32, #tpu.memory_space<vmem_shared>>
      %dma_start3A_254 = tpu.memref_squeeze %dma_start3A_253 : memref<1x1x2048xf32, #tpu.memory_space<vmem_shared>> -> memref<1x2048xf32, #tpu.memory_space<vmem_shared>>
      %dma_start3A_255 = arith.constant 0 : i32
      %dma_start3A_256 = tpu.memref_slice %arg3[%squeeze3A_250, %dma_start3A_255] : memref<100001x2048xf32, #tpu.memory_space<hbm>> -> memref<1x2048xf32, #tpu.memory_space<hbm>>
      tpu.enqueue_dma source(%dma_start3A_256 : memref<1x2048xf32, #tpu.memory_space<hbm>>) target(%dma_start3A_254 : memref<1x2048xf32, #tpu.memory_space<vmem_shared>>) target_semaphore(%arg9 : memref<!tpu.dma_semaphore, #tpu.memory_space<semaphore_mem>>)
      %slice3A_257 = vector.extract_strided_slice %get3A_192 {offsets = [8], sizes = [1], strides = [1]} : vector<16xi32> to vector<1xi32>
      %squeeze3A_258 = vector.extract %slice3A_257[0] : i32 from vector<1xi32>
      %dma_start3A_259 = arith.constant 8 : i32
      %dma_start3A_260 = arith.constant 0 : i32
      %dma_start3A_261 = tpu.memref_slice %arg7[%arg1, %dma_start3A_259, %dma_start3A_260] : memref<16x16x2048xf32, #tpu.memory_space<vmem_shared>> -> memref<1x1x2048xf32, #tpu.memory_space<vmem_shared>>
      %dma_start3A_262 = tpu.memref_squeeze %dma_start3A_261 : memref<1x1x2048xf32, #tpu.memory_space<vmem_shared>> -> memref<1x2048xf32, #tpu.memory_space<vmem_shared>>
      %dma_start3A_263 = arith.constant 0 : i32
      %dma_start3A_264 = tpu.memref_slice %arg3[%squeeze3A_258, %dma_start3A_263] : memref<100001x2048xf32, #tpu.memory_space<hbm>> -> memref<1x2048xf32, #tpu.memory_space<hbm>>
      tpu.enqueue_dma source(%dma_start3A_264 : memref<1x2048xf32, #tpu.memory_space<hbm>>) target(%dma_start3A_262 : memref<1x2048xf32, #tpu.memory_space<vmem_shared>>) target_semaphore(%arg9 : memref<!tpu.dma_semaphore, #tpu.memory_space<semaphore_mem>>)
      %slice3A_265 = vector.extract_strided_slice %get3A_192 {offsets = [9], sizes = [1], strides = [1]} : vector<16xi32> to vector<1xi32>
      %squeeze3A_266 = vector.extract %slice3A_265[0] : i32 from vector<1xi32>
      %dma_start3A_267 = arith.constant 9 : i32
      %dma_start3A_268 = arith.constant 0 : i32
      %dma_start3A_269 = tpu.memref_slice %arg7[%arg1, %dma_start3A_267, %dma_start3A_268] : memref<16x16x2048xf32, #tpu.memory_space<vmem_shared>> -> memref<1x1x2048xf32, #tpu.memory_space<vmem_shared>>
      %dma_start3A_270 = tpu.memref_squeeze %dma_start3A_269 : memref<1x1x2048xf32, #tpu.memory_space<vmem_shared>> -> memref<1x2048xf32, #tpu.memory_space<vmem_shared>>
      %dma_start3A_271 = arith.constant 0 : i32
      %dma_start3A_272 = tpu.memref_slice %arg3[%squeeze3A_266, %dma_start3A_271] : memref<100001x2048xf32, #tpu.memory_space<hbm>> -> memref<1x2048xf32, #tpu.memory_space<hbm>>
      tpu.enqueue_dma source(%dma_start3A_272 : memref<1x2048xf32, #tpu.memory_space<hbm>>) target(%dma_start3A_270 : memref<1x2048xf32, #tpu.memory_space<vmem_shared>>) target_semaphore(%arg9 : memref<!tpu.dma_semaphore, #tpu.memory_space<semaphore_mem>>)
      %slice3A_273 = vector.extract_strided_slice %get3A_192 {offsets = [10], sizes = [1], strides = [1]} : vector<16xi32> to vector<1xi32>
      %squeeze3A_274 = vector.extract %slice3A_273[0] : i32 from vector<1xi32>
      %dma_start3A_275 = arith.constant 10 : i32
      %dma_start3A_276 = arith.constant 0 : i32
      %dma_start3A_277 = tpu.memref_slice %arg7[%arg1, %dma_start3A_275, %dma_start3A_276] : memref<16x16x2048xf32, #tpu.memory_space<vmem_shared>> -> memref<1x1x2048xf32, #tpu.memory_space<vmem_shared>>
      %dma_start3A_278 = tpu.memref_squeeze %dma_start3A_277 : memref<1x1x2048xf32, #tpu.memory_space<vmem_shared>> -> memref<1x2048xf32, #tpu.memory_space<vmem_shared>>
      %dma_start3A_279 = arith.constant 0 : i32
      %dma_start3A_280 = tpu.memref_slice %arg3[%squeeze3A_274, %dma_start3A_279] : memref<100001x2048xf32, #tpu.memory_space<hbm>> -> memref<1x2048xf32, #tpu.memory_space<hbm>>
      tpu.enqueue_dma source(%dma_start3A_280 : memref<1x2048xf32, #tpu.memory_space<hbm>>) target(%dma_start3A_278 : memref<1x2048xf32, #tpu.memory_space<vmem_shared>>) target_semaphore(%arg9 : memref<!tpu.dma_semaphore, #tpu.memory_space<semaphore_mem>>)
      %slice3A_281 = vector.extract_strided_slice %get3A_192 {offsets = [11], sizes = [1], strides = [1]} : vector<16xi32> to vector<1xi32>
      %squeeze3A_282 = vector.extract %slice3A_281[0] : i32 from vector<1xi32>
      %dma_start3A_283 = arith.constant 11 : i32
      %dma_start3A_284 = arith.constant 0 : i32
      %dma_start3A_285 = tpu.memref_slice %arg7[%arg1, %dma_start3A_283, %dma_start3A_284] : memref<16x16x2048xf32, #tpu.memory_space<vmem_shared>> -> memref<1x1x2048xf32, #tpu.memory_space<vmem_shared>>
      %dma_start3A_286 = tpu.memref_squeeze %dma_start3A_285 : memref<1x1x2048xf32, #tpu.memory_space<vmem_shared>> -> memref<1x2048xf32, #tpu.memory_space<vmem_shared>>
      %dma_start3A_287 = arith.constant 0 : i32
      %dma_start3A_288 = tpu.memref_slice %arg3[%squeeze3A_282, %dma_start3A_287] : memref<100001x2048xf32, #tpu.memory_space<hbm>> -> memref<1x2048xf32, #tpu.memory_space<hbm>>
      tpu.enqueue_dma source(%dma_start3A_288 : memref<1x2048xf32, #tpu.memory_space<hbm>>) target(%dma_start3A_286 : memref<1x2048xf32, #tpu.memory_space<vmem_shared>>) target_semaphore(%arg9 : memref<!tpu.dma_semaphore, #tpu.memory_space<semaphore_mem>>)
      %slice3A_289 = vector.extract_strided_slice %get3A_192 {offsets = [12], sizes = [1], strides = [1]} : vector<16xi32> to vector<1xi32>
      %squeeze3A_290 = vector.extract %slice3A_289[0] : i32 from vector<1xi32>
      %dma_start3A_291 = arith.constant 12 : i32
      %dma_start3A_292 = arith.constant 0 : i32
      %dma_start3A_293 = tpu.memref_slice %arg7[%arg1, %dma_start3A_291, %dma_start3A_292] : memref<16x16x2048xf32, #tpu.memory_space<vmem_shared>> -> memref<1x1x2048xf32, #tpu.memory_space<vmem_shared>>
      %dma_start3A_294 = tpu.memref_squeeze %dma_start3A_293 : memref<1x1x2048xf32, #tpu.memory_space<vmem_shared>> -> memref<1x2048xf32, #tpu.memory_space<vmem_shared>>
      %dma_start3A_295 = arith.constant 0 : i32
      %dma_start3A_296 = tpu.memref_slice %arg3[%squeeze3A_290, %dma_start3A_295] : memref<100001x2048xf32, #tpu.memory_space<hbm>> -> memref<1x2048xf32, #tpu.memory_space<hbm>>
      tpu.enqueue_dma source(%dma_start3A_296 : memref<1x2048xf32, #tpu.memory_space<hbm>>) target(%dma_start3A_294 : memref<1x2048xf32, #tpu.memory_space<vmem_shared>>) target_semaphore(%arg9 : memref<!tpu.dma_semaphore, #tpu.memory_space<semaphore_mem>>)
      %slice3A_297 = vector.extract_strided_slice %get3A_192 {offsets = [13], sizes = [1], strides = [1]} : vector<16xi32> to vector<1xi32>
      %squeeze3A_298 = vector.extract %slice3A_297[0] : i32 from vector<1xi32>
      %dma_start3A_299 = arith.constant 13 : i32
      %dma_start3A_300 = arith.constant 0 : i32
      %dma_start3A_301 = tpu.memref_slice %arg7[%arg1, %dma_start3A_299, %dma_start3A_300] : memref<16x16x2048xf32, #tpu.memory_space<vmem_shared>> -> memref<1x1x2048xf32, #tpu.memory_space<vmem_shared>>
      %dma_start3A_302 = tpu.memref_squeeze %dma_start3A_301 : memref<1x1x2048xf32, #tpu.memory_space<vmem_shared>> -> memref<1x2048xf32, #tpu.memory_space<vmem_shared>>
      %dma_start3A_303 = arith.constant 0 : i32
      %dma_start3A_304 = tpu.memref_slice %arg3[%squeeze3A_298, %dma_start3A_303] : memref<100001x2048xf32, #tpu.memory_space<hbm>> -> memref<1x2048xf32, #tpu.memory_space<hbm>>
      tpu.enqueue_dma source(%dma_start3A_304 : memref<1x2048xf32, #tpu.memory_space<hbm>>) target(%dma_start3A_302 : memref<1x2048xf32, #tpu.memory_space<vmem_shared>>) target_semaphore(%arg9 : memref<!tpu.dma_semaphore, #tpu.memory_space<semaphore_mem>>)
      %slice3A_305 = vector.extract_strided_slice %get3A_192 {offsets = [14], sizes = [1], strides = [1]} : vector<16xi32> to vector<1xi32>
      %squeeze3A_306 = vector.extract %slice3A_305[0] : i32 from vector<1xi32>
      %dma_start3A_307 = arith.constant 14 : i32
      %dma_start3A_308 = arith.constant 0 : i32
      %dma_start3A_309 = tpu.memref_slice %arg7[%arg1, %dma_start3A_307, %dma_start3A_308] : memref<16x16x2048xf32, #tpu.memory_space<vmem_shared>> -> memref<1x1x2048xf32, #tpu.memory_space<vmem_shared>>
      %dma_start3A_310 = tpu.memref_squeeze %dma_start3A_309 : memref<1x1x2048xf32, #tpu.memory_space<vmem_shared>> -> memref<1x2048xf32, #tpu.memory_space<vmem_shared>>
      %dma_start3A_311 = arith.constant 0 : i32
      %dma_start3A_312 = tpu.memref_slice %arg3[%squeeze3A_306, %dma_start3A_311] : memref<100001x2048xf32, #tpu.memory_space<hbm>> -> memref<1x2048xf32, #tpu.memory_space<hbm>>
      tpu.enqueue_dma source(%dma_start3A_312 : memref<1x2048xf32, #tpu.memory_space<hbm>>) target(%dma_start3A_310 : memref<1x2048xf32, #tpu.memory_space<vmem_shared>>) target_semaphore(%arg9 : memref<!tpu.dma_semaphore, #tpu.memory_space<semaphore_mem>>)
      %slice3A_313 = vector.extract_strided_slice %get3A_192 {offsets = [15], sizes = [1], strides = [1]} : vector<16xi32> to vector<1xi32>
      %squeeze3A_314 = vector.extract %slice3A_313[0] : i32 from vector<1xi32>
      %dma_start3A_315 = arith.constant 15 : i32
      %dma_start3A_316 = arith.constant 0 : i32
      %dma_start3A_317 = tpu.memref_slice %arg7[%arg1, %dma_start3A_315, %dma_start3A_316] : memref<16x16x2048xf32, #tpu.memory_space<vmem_shared>> -> memref<1x1x2048xf32, #tpu.memory_space<vmem_shared>>
      %dma_start3A_318 = tpu.memref_squeeze %dma_start3A_317 : memref<1x1x2048xf32, #tpu.memory_space<vmem_shared>> -> memref<1x2048xf32, #tpu.memory_space<vmem_shared>>
      %dma_start3A_319 = arith.constant 0 : i32
      %dma_start3A_320 = tpu.memref_slice %arg3[%squeeze3A_314, %dma_start3A_319] : memref<100001x2048xf32, #tpu.memory_space<hbm>> -> memref<1x2048xf32, #tpu.memory_space<hbm>>
      tpu.enqueue_dma source(%dma_start3A_320 : memref<1x2048xf32, #tpu.memory_space<hbm>>) target(%dma_start3A_318 : memref<1x2048xf32, #tpu.memory_space<vmem_shared>>) target_semaphore(%arg9 : memref<!tpu.dma_semaphore, #tpu.memory_space<semaphore_mem>>)
      %dma_wait3A_321 = arith.constant 0 : i32
      %dma_wait3A_322 = arith.constant 0 : i32
      %dma_wait3A_323 = tpu.memref_slice %arg6[%arg1, %dma_wait3A_321, %dma_wait3A_322] : memref<16x16x2048xf32, #tpu.memory_space<vmem_shared>> -> memref<1x16x2048xf32, #tpu.memory_space<vmem_shared>>
      %dma_wait3A_324 = tpu.memref_squeeze %dma_wait3A_323 : memref<1x16x2048xf32, #tpu.memory_space<vmem_shared>> -> memref<16x2048xf32, #tpu.memory_space<vmem_shared>>
      %dma_wait3A_325 = arith.constant 0 : i32
      %dma_wait3A_326 = arith.constant 0 : i32
      %dma_wait3A_327 = tpu.memref_slice %arg3[%dma_wait3A_325, %dma_wait3A_326] : memref<100001x2048xf32, #tpu.memory_space<hbm>> -> memref<16x2048xf32, #tpu.memory_space<hbm>>
      tpu.wait_dma2 semaphore(%arg8 : memref<!tpu.dma_semaphore, #tpu.memory_space<semaphore_mem>>) src(%dma_wait3A_327 : memref<16x2048xf32, #tpu.memory_space<hbm>>) dst(%dma_wait3A_324 : memref<16x2048xf32, #tpu.memory_space<vmem_shared>>)
      %mul3A_328 = arith.constant 16 : i32
      %mul3A_329 = arith.muli %add3A_183, %mul3A_328 : i32
      %add3A_330 = arith.addi %mul3A_2, %mul3A_329 : i32
      %dma_start3A_331 = arith.constant 0 : i32
      %dma_start3A_332 = tpu.memref_slice %arg4[%add3A_330, %dma_start3A_331] : memref<16384x2048xf32, #tpu.memory_space<hbm>> -> memref<16x2048xf32, #tpu.memory_space<hbm>>
      %dma_start3A_333 = arith.constant 0 : i32
      %dma_start3A_334 = arith.constant 0 : i32
      %dma_start3A_335 = tpu.memref_slice %arg6[%arg1, %dma_start3A_333, %dma_start3A_334] : memref<16x16x2048xf32, #tpu.memory_space<vmem_shared>> -> memref<1x16x2048xf32, #tpu.memory_space<vmem_shared>>
      %dma_start3A_336 = tpu.memref_squeeze %dma_start3A_335 : memref<1x16x2048xf32, #tpu.memory_space<vmem_shared>> -> memref<16x2048xf32, #tpu.memory_space<vmem_shared>>
      tpu.enqueue_dma source(%dma_start3A_336 : memref<16x2048xf32, #tpu.memory_space<vmem_shared>>) target(%dma_start3A_332 : memref<16x2048xf32, #tpu.memory_space<hbm>>) target_semaphore(%arg10 : memref<!tpu.dma_semaphore, #tpu.memory_space<semaphore_mem>>)
      %dma_wait3A_337 = arith.constant 0 : i32
      %dma_wait3A_338 = arith.constant 0 : i32
      %dma_wait3A_339 = tpu.memref_slice %arg7[%arg1, %dma_wait3A_337, %dma_wait3A_338] : memref<16x16x2048xf32, #tpu.memory_space<vmem_shared>> -> memref<1x16x2048xf32, #tpu.memory_space<vmem_shared>>
      %dma_wait3A_340 = tpu.memref_squeeze %dma_wait3A_339 : memref<1x16x2048xf32, #tpu.memory_space<vmem_shared>> -> memref<16x2048xf32, #tpu.memory_space<vmem_shared>>
      %dma_wait3A_341 = arith.constant 0 : i32
      %dma_wait3A_342 = arith.constant 0 : i32
      %dma_wait3A_343 = tpu.memref_slice %arg3[%dma_wait3A_341, %dma_wait3A_342] : memref<100001x2048xf32, #tpu.memory_space<hbm>> -> memref<16x2048xf32, #tpu.memory_space<hbm>>
      tpu.wait_dma2 semaphore(%arg9 : memref<!tpu.dma_semaphore, #tpu.memory_space<semaphore_mem>>) src(%dma_wait3A_343 : memref<16x2048xf32, #tpu.memory_space<hbm>>) dst(%dma_wait3A_340 : memref<16x2048xf32, #tpu.memory_space<vmem_shared>>)
      %add3A_344 = arith.constant 1 : i32
      %add3A_345 = arith.addi %add3A_183, %add3A_344 : i32
      %mul3A_346 = arith.constant 16 : i32
      %mul3A_347 = arith.muli %add3A_345, %mul3A_346 : i32
      %add3A_348 = arith.addi %mul3A_2, %mul3A_347 : i32
      %dma_start3A_349 = arith.constant 0 : i32
      %dma_start3A_350 = tpu.memref_slice %arg4[%add3A_348, %dma_start3A_349] : memref<16384x2048xf32, #tpu.memory_space<hbm>> -> memref<16x2048xf32, #tpu.memory_space<hbm>>
      %dma_start3A_351 = arith.constant 0 : i32
      %dma_start3A_352 = arith.constant 0 : i32
      %dma_start3A_353 = tpu.memref_slice %arg7[%arg1, %dma_start3A_351, %dma_start3A_352] : memref<16x16x2048xf32, #tpu.memory_space<vmem_shared>> -> memref<1x16x2048xf32, #tpu.memory_space<vmem_shared>>
      %dma_start3A_354 = tpu.memref_squeeze %dma_start3A_353 : memref<1x16x2048xf32, #tpu.memory_space<vmem_shared>> -> memref<16x2048xf32, #tpu.memory_space<vmem_shared>>
      tpu.enqueue_dma source(%dma_start3A_354 : memref<16x2048xf32, #tpu.memory_space<vmem_shared>>) target(%dma_start3A_350 : memref<16x2048xf32, #tpu.memory_space<hbm>>) target_semaphore(%arg11 : memref<!tpu.dma_semaphore, #tpu.memory_space<semaphore_mem>>)
      %add3A_355 = arith.constant 2 : i32
      %add3A_356 = arith.addi %add3A_183, %add3A_355 : i32
      %lt3A_357 = arith.constant 32 : i32
      %lt3A_358 = arith.cmpi slt, %add3A_356, %lt3A_357 : i32
      %convert_element_type3A_359 = arith.extui %lt3A_358 : i1 to i32
      %cond3A_360 = arith.constant 0 : i32
      %cond3A_361 = arith.cmpi ne, %convert_element_type3A_359, %cond3A_360 : i32
      scf.if %cond3A_361 {
        %dma_wait3A_362 = arith.constant 0 : i32
        %dma_wait3A_363 = arith.constant 0 : i32
        %dma_wait3A_364 = tpu.memref_slice %arg4[%dma_wait3A_362, %dma_wait3A_363] : memref<16384x2048xf32, #tpu.memory_space<hbm>> -> memref<16x2048xf32, #tpu.memory_space<hbm>>
        %dma_wait3A_365 = arith.constant 0 : i32
        %dma_wait3A_366 = arith.constant 0 : i32
        %dma_wait3A_367 = tpu.memref_slice %arg6[%arg1, %dma_wait3A_365, %dma_wait3A_366] : memref<16x16x2048xf32, #tpu.memory_space<vmem_shared>> -> memref<1x16x2048xf32, #tpu.memory_space<vmem_shared>>
        %dma_wait3A_368 = tpu.memref_squeeze %dma_wait3A_367 : memref<1x16x2048xf32, #tpu.memory_space<vmem_shared>> -> memref<16x2048xf32, #tpu.memory_space<vmem_shared>>
        tpu.wait_dma2 semaphore(%arg10 : memref<!tpu.dma_semaphore, #tpu.memory_space<semaphore_mem>>) src(%dma_wait3A_368 : memref<16x2048xf32, #tpu.memory_space<vmem_shared>>) dst(%dma_wait3A_364 : memref<16x2048xf32, #tpu.memory_space<hbm>>)
        %add3A_369 = arith.constant 2 : i32
        %add3A_370 = arith.addi %add3A_183, %add3A_369 : i32
        %mul3A_371 = arith.constant 16 : i32
        %mul3A_372 = arith.muli %add3A_370, %mul3A_371 : i32
        %get3A_373 = arith.index_cast %mul3A_372 : i32 to index
        %get3A_374 = tpu.vector_load %arg5[%get3A_373] {strides = array<i32>} : memref<512xi32, #tpu.memory_space<vmem>>, vector<16xi32>,
        %get3A_375 = vector.shape_cast %get3A_374 : vector<16xi32> to vector<16xi32>
        %slice3A_376 = vector.extract_strided_slice %get3A_375 {offsets = [0], sizes = [1], strides = [1]} : vector<16xi32> to vector<1xi32>
        %squeeze3A_377 = vector.extract %slice3A_376[0] : i32 from vector<1xi32>
        %dma_start3A_378 = arith.constant 0 : i32
        %dma_start3A_379 = arith.constant 0 : i32
        %dma_start3A_380 = tpu.memref_slice %arg6[%arg1, %dma_start3A_378, %dma_start3A_379] : memref<16x16x2048xf32, #tpu.memory_space<vmem_shared>> -> memref<1x1x2048xf32, #tpu.memory_space<vmem_shared>>
        %dma_start3A_381 = tpu.memref_squeeze %dma_start3A_380 : memref<1x1x2048xf32, #tpu.memory_space<vmem_shared>> -> memref<1x2048xf32, #tpu.memory_space<vmem_shared>>
        %dma_start3A_382 = arith.constant 0 : i32
        %dma_start3A_383 = tpu.memref_slice %arg3[%squeeze3A_377, %dma_start3A_382] : memref<100001x2048xf32, #tpu.memory_space<hbm>> -> memref<1x2048xf32, #tpu.memory_space<hbm>>
        tpu.enqueue_dma source(%dma_start3A_383 : memref<1x2048xf32, #tpu.memory_space<hbm>>) target(%dma_start3A_381 : memref<1x2048xf32, #tpu.memory_space<vmem_shared>>) target_semaphore(%arg8 : memref<!tpu.dma_semaphore, #tpu.memory_space<semaphore_mem>>)
        %slice3A_384 = vector.extract_strided_slice %get3A_375 {offsets = [1], sizes = [1], strides = [1]} : vector<16xi32> to vector<1xi32>
        %squeeze3A_385 = vector.extract %slice3A_384[0] : i32 from vector<1xi32>
        %dma_start3A_386 = arith.constant 1 : i32
        %dma_start3A_387 = arith.constant 0 : i32
        %dma_start3A_388 = tpu.memref_slice %arg6[%arg1, %dma_start3A_386, %dma_start3A_387] : memref<16x16x2048xf32, #tpu.memory_space<vmem_shared>> -> memref<1x1x2048xf32, #tpu.memory_space<vmem_shared>>
        %dma_start3A_389 = tpu.memref_squeeze %dma_start3A_388 : memref<1x1x2048xf32, #tpu.memory_space<vmem_shared>> -> memref<1x2048xf32, #tpu.memory_space<vmem_shared>>
        %dma_start3A_390 = arith.constant 0 : i32
        %dma_start3A_391 = tpu.memref_slice %arg3[%squeeze3A_385, %dma_start3A_390] : memref<100001x2048xf32, #tpu.memory_space<hbm>> -> memref<1x2048xf32, #tpu.memory_space<hbm>>
        tpu.enqueue_dma source(%dma_start3A_391 : memref<1x2048xf32, #tpu.memory_space<hbm>>) target(%dma_start3A_389 : memref<1x2048xf32, #tpu.memory_space<vmem_shared>>) target_semaphore(%arg8 : memref<!tpu.dma_semaphore, #tpu.memory_space<semaphore_mem>>)
        %slice3A_392 = vector.extract_strided_slice %get3A_375 {offsets = [2], sizes = [1], strides = [1]} : vector<16xi32> to vector<1xi32>
        %squeeze3A_393 = vector.extract %slice3A_392[0] : i32 from vector<1xi32>
        %dma_start3A_394 = arith.constant 2 : i32
        %dma_start3A_395 = arith.constant 0 : i32
        %dma_start3A_396 = tpu.memref_slice %arg6[%arg1, %dma_start3A_394, %dma_start3A_395] : memref<16x16x2048xf32, #tpu.memory_space<vmem_shared>> -> memref<1x1x2048xf32, #tpu.memory_space<vmem_shared>>
        %dma_start3A_397 = tpu.memref_squeeze %dma_start3A_396 : memref<1x1x2048xf32, #tpu.memory_space<vmem_shared>> -> memref<1x2048xf32, #tpu.memory_space<vmem_shared>>
        %dma_start3A_398 = arith.constant 0 : i32
        %dma_start3A_399 = tpu.memref_slice %arg3[%squeeze3A_393, %dma_start3A_398] : memref<100001x2048xf32, #tpu.memory_space<hbm>> -> memref<1x2048xf32, #tpu.memory_space<hbm>>
        tpu.enqueue_dma source(%dma_start3A_399 : memref<1x2048xf32, #tpu.memory_space<hbm>>) target(%dma_start3A_397 : memref<1x2048xf32, #tpu.memory_space<vmem_shared>>) target_semaphore(%arg8 : memref<!tpu.dma_semaphore, #tpu.memory_space<semaphore_mem>>)
        %slice3A_400 = vector.extract_strided_slice %get3A_375 {offsets = [3], sizes = [1], strides = [1]} : vector<16xi32> to vector<1xi32>
        %squeeze3A_401 = vector.extract %slice3A_400[0] : i32 from vector<1xi32>
        %dma_start3A_402 = arith.constant 3 : i32
        %dma_start3A_403 = arith.constant 0 : i32
        %dma_start3A_404 = tpu.memref_slice %arg6[%arg1, %dma_start3A_402, %dma_start3A_403] : memref<16x16x2048xf32, #tpu.memory_space<vmem_shared>> -> memref<1x1x2048xf32, #tpu.memory_space<vmem_shared>>
        %dma_start3A_405 = tpu.memref_squeeze %dma_start3A_404 : memref<1x1x2048xf32, #tpu.memory_space<vmem_shared>> -> memref<1x2048xf32, #tpu.memory_space<vmem_shared>>
        %dma_start3A_406 = arith.constant 0 : i32
        %dma_start3A_407 = tpu.memref_slice %arg3[%squeeze3A_401, %dma_start3A_406] : memref<100001x2048xf32, #tpu.memory_space<hbm>> -> memref<1x2048xf32, #tpu.memory_space<hbm>>
        tpu.enqueue_dma source(%dma_start3A_407 : memref<1x2048xf32, #tpu.memory_space<hbm>>) target(%dma_start3A_405 : memref<1x2048xf32, #tpu.memory_space<vmem_shared>>) target_semaphore(%arg8 : memref<!tpu.dma_semaphore, #tpu.memory_space<semaphore_mem>>)
        %slice3A_408 = vector.extract_strided_slice %get3A_375 {offsets = [4], sizes = [1], strides = [1]} : vector<16xi32> to vector<1xi32>
        %squeeze3A_409 = vector.extract %slice3A_408[0] : i32 from vector<1xi32>
        %dma_start3A_410 = arith.constant 4 : i32
        %dma_start3A_411 = arith.constant 0 : i32
        %dma_start3A_412 = tpu.memref_slice %arg6[%arg1, %dma_start3A_410, %dma_start3A_411] : memref<16x16x2048xf32, #tpu.memory_space<vmem_shared>> -> memref<1x1x2048xf32, #tpu.memory_space<vmem_shared>>
        %dma_start3A_413 = tpu.memref_squeeze %dma_start3A_412 : memref<1x1x2048xf32, #tpu.memory_space<vmem_shared>> -> memref<1x2048xf32, #tpu.memory_space<vmem_shared>>
        %dma_start3A_414 = arith.constant 0 : i32
        %dma_start3A_415 = tpu.memref_slice %arg3[%squeeze3A_409, %dma_start3A_414] : memref<100001x2048xf32, #tpu.memory_space<hbm>> -> memref<1x2048xf32, #tpu.memory_space<hbm>>
        tpu.enqueue_dma source(%dma_start3A_415 : memref<1x2048xf32, #tpu.memory_space<hbm>>) target(%dma_start3A_413 : memref<1x2048xf32, #tpu.memory_space<vmem_shared>>) target_semaphore(%arg8 : memref<!tpu.dma_semaphore, #tpu.memory_space<semaphore_mem>>)
        %slice3A_416 = vector.extract_strided_slice %get3A_375 {offsets = [5], sizes = [1], strides = [1]} : vector<16xi32> to vector<1xi32>
        %squeeze3A_417 = vector.extract %slice3A_416[0] : i32 from vector<1xi32>
        %dma_start3A_418 = arith.constant 5 : i32
        %dma_start3A_419 = arith.constant 0 : i32
        %dma_start3A_420 = tpu.memref_slice %arg6[%arg1, %dma_start3A_418, %dma_start3A_419] : memref<16x16x2048xf32, #tpu.memory_space<vmem_shared>> -> memref<1x1x2048xf32, #tpu.memory_space<vmem_shared>>
        %dma_start3A_421 = tpu.memref_squeeze %dma_start3A_420 : memref<1x1x2048xf32, #tpu.memory_space<vmem_shared>> -> memref<1x2048xf32, #tpu.memory_space<vmem_shared>>
        %dma_start3A_422 = arith.constant 0 : i32
        %dma_start3A_423 = tpu.memref_slice %arg3[%squeeze3A_417, %dma_start3A_422] : memref<100001x2048xf32, #tpu.memory_space<hbm>> -> memref<1x2048xf32, #tpu.memory_space<hbm>>
        tpu.enqueue_dma source(%dma_start3A_423 : memref<1x2048xf32, #tpu.memory_space<hbm>>) target(%dma_start3A_421 : memref<1x2048xf32, #tpu.memory_space<vmem_shared>>) target_semaphore(%arg8 : memref<!tpu.dma_semaphore, #tpu.memory_space<semaphore_mem>>)
        %slice3A_424 = vector.extract_strided_slice %get3A_375 {offsets = [6], sizes = [1], strides = [1]} : vector<16xi32> to vector<1xi32>
        %squeeze3A_425 = vector.extract %slice3A_424[0] : i32 from vector<1xi32>
        %dma_start3A_426 = arith.constant 6 : i32
        %dma_start3A_427 = arith.constant 0 : i32
        %dma_start3A_428 = tpu.memref_slice %arg6[%arg1, %dma_start3A_426, %dma_start3A_427] : memref<16x16x2048xf32, #tpu.memory_space<vmem_shared>> -> memref<1x1x2048xf32, #tpu.memory_space<vmem_shared>>
        %dma_start3A_429 = tpu.memref_squeeze %dma_start3A_428 : memref<1x1x2048xf32, #tpu.memory_space<vmem_shared>> -> memref<1x2048xf32, #tpu.memory_space<vmem_shared>>
        %dma_start3A_430 = arith.constant 0 : i32
        %dma_start3A_431 = tpu.memref_slice %arg3[%squeeze3A_425, %dma_start3A_430] : memref<100001x2048xf32, #tpu.memory_space<hbm>> -> memref<1x2048xf32, #tpu.memory_space<hbm>>
        tpu.enqueue_dma source(%dma_start3A_431 : memref<1x2048xf32, #tpu.memory_space<hbm>>) target(%dma_start3A_429 : memref<1x2048xf32, #tpu.memory_space<vmem_shared>>) target_semaphore(%arg8 : memref<!tpu.dma_semaphore, #tpu.memory_space<semaphore_mem>>)
        %slice3A_432 = vector.extract_strided_slice %get3A_375 {offsets = [7], sizes = [1], strides = [1]} : vector<16xi32> to vector<1xi32>
        %squeeze3A_433 = vector.extract %slice3A_432[0] : i32 from vector<1xi32>
        %dma_start3A_434 = arith.constant 7 : i32
        %dma_start3A_435 = arith.constant 0 : i32
        %dma_start3A_436 = tpu.memref_slice %arg6[%arg1, %dma_start3A_434, %dma_start3A_435] : memref<16x16x2048xf32, #tpu.memory_space<vmem_shared>> -> memref<1x1x2048xf32, #tpu.memory_space<vmem_shared>>
        %dma_start3A_437 = tpu.memref_squeeze %dma_start3A_436 : memref<1x1x2048xf32, #tpu.memory_space<vmem_shared>> -> memref<1x2048xf32, #tpu.memory_space<vmem_shared>>
        %dma_start3A_438 = arith.constant 0 : i32
        %dma_start3A_439 = tpu.memref_slice %arg3[%squeeze3A_433, %dma_start3A_438] : memref<100001x2048xf32, #tpu.memory_space<hbm>> -> memref<1x2048xf32, #tpu.memory_space<hbm>>
        tpu.enqueue_dma source(%dma_start3A_439 : memref<1x2048xf32, #tpu.memory_space<hbm>>) target(%dma_start3A_437 : memref<1x2048xf32, #tpu.memory_space<vmem_shared>>) target_semaphore(%arg8 : memref<!tpu.dma_semaphore, #tpu.memory_space<semaphore_mem>>)
        %slice3A_440 = vector.extract_strided_slice %get3A_375 {offsets = [8], sizes = [1], strides = [1]} : vector<16xi32> to vector<1xi32>
        %squeeze3A_441 = vector.extract %slice3A_440[0] : i32 from vector<1xi32>
        %dma_start3A_442 = arith.constant 8 : i32
        %dma_start3A_443 = arith.constant 0 : i32
        %dma_start3A_444 = tpu.memref_slice %arg6[%arg1, %dma_start3A_442, %dma_start3A_443] : memref<16x16x2048xf32, #tpu.memory_space<vmem_shared>> -> memref<1x1x2048xf32, #tpu.memory_space<vmem_shared>>
        %dma_start3A_445 = tpu.memref_squeeze %dma_start3A_444 : memref<1x1x2048xf32, #tpu.memory_space<vmem_shared>> -> memref<1x2048xf32, #tpu.memory_space<vmem_shared>>
        %dma_start3A_446 = arith.constant 0 : i32
        %dma_start3A_447 = tpu.memref_slice %arg3[%squeeze3A_441, %dma_start3A_446] : memref<100001x2048xf32, #tpu.memory_space<hbm>> -> memref<1x2048xf32, #tpu.memory_space<hbm>>
        tpu.enqueue_dma source(%dma_start3A_447 : memref<1x2048xf32, #tpu.memory_space<hbm>>) target(%dma_start3A_445 : memref<1x2048xf32, #tpu.memory_space<vmem_shared>>) target_semaphore(%arg8 : memref<!tpu.dma_semaphore, #tpu.memory_space<semaphore_mem>>)
        %slice3A_448 = vector.extract_strided_slice %get3A_375 {offsets = [9], sizes = [1], strides = [1]} : vector<16xi32> to vector<1xi32>
        %squeeze3A_449 = vector.extract %slice3A_448[0] : i32 from vector<1xi32>
        %dma_start3A_450 = arith.constant 9 : i32
        %dma_start3A_451 = arith.constant 0 : i32
        %dma_start3A_452 = tpu.memref_slice %arg6[%arg1, %dma_start3A_450, %dma_start3A_451] : memref<16x16x2048xf32, #tpu.memory_space<vmem_shared>> -> memref<1x1x2048xf32, #tpu.memory_space<vmem_shared>>
        %dma_start3A_453 = tpu.memref_squeeze %dma_start3A_452 : memref<1x1x2048xf32, #tpu.memory_space<vmem_shared>> -> memref<1x2048xf32, #tpu.memory_space<vmem_shared>>
        %dma_start3A_454 = arith.constant 0 : i32
        %dma_start3A_455 = tpu.memref_slice %arg3[%squeeze3A_449, %dma_start3A_454] : memref<100001x2048xf32, #tpu.memory_space<hbm>> -> memref<1x2048xf32, #tpu.memory_space<hbm>>
        tpu.enqueue_dma source(%dma_start3A_455 : memref<1x2048xf32, #tpu.memory_space<hbm>>) target(%dma_start3A_453 : memref<1x2048xf32, #tpu.memory_space<vmem_shared>>) target_semaphore(%arg8 : memref<!tpu.dma_semaphore, #tpu.memory_space<semaphore_mem>>)
        %slice3A_456 = vector.extract_strided_slice %get3A_375 {offsets = [10], sizes = [1], strides = [1]} : vector<16xi32> to vector<1xi32>
        %squeeze3A_457 = vector.extract %slice3A_456[0] : i32 from vector<1xi32>
        %dma_start3A_458 = arith.constant 10 : i32
        %dma_start3A_459 = arith.constant 0 : i32
        %dma_start3A_460 = tpu.memref_slice %arg6[%arg1, %dma_start3A_458, %dma_start3A_459] : memref<16x16x2048xf32, #tpu.memory_space<vmem_shared>> -> memref<1x1x2048xf32, #tpu.memory_space<vmem_shared>>
        %dma_start3A_461 = tpu.memref_squeeze %dma_start3A_460 : memref<1x1x2048xf32, #tpu.memory_space<vmem_shared>> -> memref<1x2048xf32, #tpu.memory_space<vmem_shared>>
        %dma_start3A_462 = arith.constant 0 : i32
        %dma_start3A_463 = tpu.memref_slice %arg3[%squeeze3A_457, %dma_start3A_462] : memref<100001x2048xf32, #tpu.memory_space<hbm>> -> memref<1x2048xf32, #tpu.memory_space<hbm>>
        tpu.enqueue_dma source(%dma_start3A_463 : memref<1x2048xf32, #tpu.memory_space<hbm>>) target(%dma_start3A_461 : memref<1x2048xf32, #tpu.memory_space<vmem_shared>>) target_semaphore(%arg8 : memref<!tpu.dma_semaphore, #tpu.memory_space<semaphore_mem>>)
        %slice3A_464 = vector.extract_strided_slice %get3A_375 {offsets = [11], sizes = [1], strides = [1]} : vector<16xi32> to vector<1xi32>
        %squeeze3A_465 = vector.extract %slice3A_464[0] : i32 from vector<1xi32>
        %dma_start3A_466 = arith.constant 11 : i32
        %dma_start3A_467 = arith.constant 0 : i32
        %dma_start3A_468 = tpu.memref_slice %arg6[%arg1, %dma_start3A_466, %dma_start3A_467] : memref<16x16x2048xf32, #tpu.memory_space<vmem_shared>> -> memref<1x1x2048xf32, #tpu.memory_space<vmem_shared>>
        %dma_start3A_469 = tpu.memref_squeeze %dma_start3A_468 : memref<1x1x2048xf32, #tpu.memory_space<vmem_shared>> -> memref<1x2048xf32, #tpu.memory_space<vmem_shared>>
        %dma_start3A_470 = arith.constant 0 : i32
        %dma_start3A_471 = tpu.memref_slice %arg3[%squeeze3A_465, %dma_start3A_470] : memref<100001x2048xf32, #tpu.memory_space<hbm>> -> memref<1x2048xf32, #tpu.memory_space<hbm>>
        tpu.enqueue_dma source(%dma_start3A_471 : memref<1x2048xf32, #tpu.memory_space<hbm>>) target(%dma_start3A_469 : memref<1x2048xf32, #tpu.memory_space<vmem_shared>>) target_semaphore(%arg8 : memref<!tpu.dma_semaphore, #tpu.memory_space<semaphore_mem>>)
        %slice3A_472 = vector.extract_strided_slice %get3A_375 {offsets = [12], sizes = [1], strides = [1]} : vector<16xi32> to vector<1xi32>
        %squeeze3A_473 = vector.extract %slice3A_472[0] : i32 from vector<1xi32>
        %dma_start3A_474 = arith.constant 12 : i32
        %dma_start3A_475 = arith.constant 0 : i32
        %dma_start3A_476 = tpu.memref_slice %arg6[%arg1, %dma_start3A_474, %dma_start3A_475] : memref<16x16x2048xf32, #tpu.memory_space<vmem_shared>> -> memref<1x1x2048xf32, #tpu.memory_space<vmem_shared>>
        %dma_start3A_477 = tpu.memref_squeeze %dma_start3A_476 : memref<1x1x2048xf32, #tpu.memory_space<vmem_shared>> -> memref<1x2048xf32, #tpu.memory_space<vmem_shared>>
        %dma_start3A_478 = arith.constant 0 : i32
        %dma_start3A_479 = tpu.memref_slice %arg3[%squeeze3A_473, %dma_start3A_478] : memref<100001x2048xf32, #tpu.memory_space<hbm>> -> memref<1x2048xf32, #tpu.memory_space<hbm>>
        tpu.enqueue_dma source(%dma_start3A_479 : memref<1x2048xf32, #tpu.memory_space<hbm>>) target(%dma_start3A_477 : memref<1x2048xf32, #tpu.memory_space<vmem_shared>>) target_semaphore(%arg8 : memref<!tpu.dma_semaphore, #tpu.memory_space<semaphore_mem>>)
        %slice3A_480 = vector.extract_strided_slice %get3A_375 {offsets = [13], sizes = [1], strides = [1]} : vector<16xi32> to vector<1xi32>
        %squeeze3A_481 = vector.extract %slice3A_480[0] : i32 from vector<1xi32>
        %dma_start3A_482 = arith.constant 13 : i32
        %dma_start3A_483 = arith.constant 0 : i32
        %dma_start3A_484 = tpu.memref_slice %arg6[%arg1, %dma_start3A_482, %dma_start3A_483] : memref<16x16x2048xf32, #tpu.memory_space<vmem_shared>> -> memref<1x1x2048xf32, #tpu.memory_space<vmem_shared>>
        %dma_start3A_485 = tpu.memref_squeeze %dma_start3A_484 : memref<1x1x2048xf32, #tpu.memory_space<vmem_shared>> -> memref<1x2048xf32, #tpu.memory_space<vmem_shared>>
        %dma_start3A_486 = arith.constant 0 : i32
        %dma_start3A_487 = tpu.memref_slice %arg3[%squeeze3A_481, %dma_start3A_486] : memref<100001x2048xf32, #tpu.memory_space<hbm>> -> memref<1x2048xf32, #tpu.memory_space<hbm>>
        tpu.enqueue_dma source(%dma_start3A_487 : memref<1x2048xf32, #tpu.memory_space<hbm>>) target(%dma_start3A_485 : memref<1x2048xf32, #tpu.memory_space<vmem_shared>>) target_semaphore(%arg8 : memref<!tpu.dma_semaphore, #tpu.memory_space<semaphore_mem>>)
        %slice3A_488 = vector.extract_strided_slice %get3A_375 {offsets = [14], sizes = [1], strides = [1]} : vector<16xi32> to vector<1xi32>
        %squeeze3A_489 = vector.extract %slice3A_488[0] : i32 from vector<1xi32>
        %dma_start3A_490 = arith.constant 14 : i32
        %dma_start3A_491 = arith.constant 0 : i32
        %dma_start3A_492 = tpu.memref_slice %arg6[%arg1, %dma_start3A_490, %dma_start3A_491] : memref<16x16x2048xf32, #tpu.memory_space<vmem_shared>> -> memref<1x1x2048xf32, #tpu.memory_space<vmem_shared>>
        %dma_start3A_493 = tpu.memref_squeeze %dma_start3A_492 : memref<1x1x2048xf32, #tpu.memory_space<vmem_shared>> -> memref<1x2048xf32, #tpu.memory_space<vmem_shared>>
        %dma_start3A_494 = arith.constant 0 : i32
        %dma_start3A_495 = tpu.memref_slice %arg3[%squeeze3A_489, %dma_start3A_494] : memref<100001x2048xf32, #tpu.memory_space<hbm>> -> memref<1x2048xf32, #tpu.memory_space<hbm>>
        tpu.enqueue_dma source(%dma_start3A_495 : memref<1x2048xf32, #tpu.memory_space<hbm>>) target(%dma_start3A_493 : memref<1x2048xf32, #tpu.memory_space<vmem_shared>>) target_semaphore(%arg8 : memref<!tpu.dma_semaphore, #tpu.memory_space<semaphore_mem>>)
        %slice3A_496 = vector.extract_strided_slice %get3A_375 {offsets = [15], sizes = [1], strides = [1]} : vector<16xi32> to vector<1xi32>
        %squeeze3A_497 = vector.extract %slice3A_496[0] : i32 from vector<1xi32>
        %dma_start3A_498 = arith.constant 15 : i32
        %dma_start3A_499 = arith.constant 0 : i32
        %dma_start3A_500 = tpu.memref_slice %arg6[%arg1, %dma_start3A_498, %dma_start3A_499] : memref<16x16x2048xf32, #tpu.memory_space<vmem_shared>> -> memref<1x1x2048xf32, #tpu.memory_space<vmem_shared>>
        %dma_start3A_501 = tpu.memref_squeeze %dma_start3A_500 : memref<1x1x2048xf32, #tpu.memory_space<vmem_shared>> -> memref<1x2048xf32, #tpu.memory_space<vmem_shared>>
        %dma_start3A_502 = arith.constant 0 : i32
        %dma_start3A_503 = tpu.memref_slice %arg3[%squeeze3A_497, %dma_start3A_502] : memref<100001x2048xf32, #tpu.memory_space<hbm>> -> memref<1x2048xf32, #tpu.memory_space<hbm>>
        tpu.enqueue_dma source(%dma_start3A_503 : memref<1x2048xf32, #tpu.memory_space<hbm>>) target(%dma_start3A_501 : memref<1x2048xf32, #tpu.memory_space<vmem_shared>>) target_semaphore(%arg8 : memref<!tpu.dma_semaphore, #tpu.memory_space<semaphore_mem>>)
      } else {
      }
    }
    %scan3A_165 = arith.constant 16 : i32
    %dma_wait3A = arith.constant 0 : i32
    %dma_wait3A_166 = arith.constant 0 : i32
    %dma_wait3A_167 = tpu.memref_slice %arg4[%dma_wait3A, %dma_wait3A_166] : memref<16384x2048xf32, #tpu.memory_space<hbm>> -> memref<16x2048xf32, #tpu.memory_space<hbm>>
    %dma_wait3A_168 = arith.constant 0 : i32
    %dma_wait3A_169 = arith.constant 0 : i32
    %dma_wait3A_170 = tpu.memref_slice %arg6[%arg1, %dma_wait3A_168, %dma_wait3A_169] : memref<16x16x2048xf32, #tpu.memory_space<vmem_shared>> -> memref<1x16x2048xf32, #tpu.memory_space<vmem_shared>>
    %dma_wait3A_171 = tpu.memref_squeeze %dma_wait3A_170 : memref<1x16x2048xf32, #tpu.memory_space<vmem_shared>> -> memref<16x2048xf32, #tpu.memory_space<vmem_shared>>
    tpu.wait_dma2 semaphore(%arg10 : memref<!tpu.dma_semaphore, #tpu.memory_space<semaphore_mem>>) src(%dma_wait3A_171 : memref<16x2048xf32, #tpu.memory_space<vmem_shared>>) dst(%dma_wait3A_167 : memref<16x2048xf32, #tpu.memory_space<hbm>>)
    %dma_wait3A_172 = arith.constant 0 : i32
    %dma_wait3A_173 = arith.constant 0 : i32
    %dma_wait3A_174 = tpu.memref_slice %arg4[%dma_wait3A_172, %dma_wait3A_173] : memref<16384x2048xf32, #tpu.memory_space<hbm>> -> memref<16x2048xf32, #tpu.memory_space<hbm>>
    %dma_wait3A_175 = arith.constant 0 : i32
    %dma_wait3A_176 = arith.constant 0 : i32
    %dma_wait3A_177 = tpu.memref_slice %arg7[%arg1, %dma_wait3A_175, %dma_wait3A_176] : memref<16x16x2048xf32, #tpu.memory_space<vmem_shared>> -> memref<1x16x2048xf32, #tpu.memory_space<vmem_shared>>
    %dma_wait3A_178 = tpu.memref_squeeze %dma_wait3A_177 : memref<1x16x2048xf32, #tpu.memory_space<vmem_shared>> -> memref<16x2048xf32, #tpu.memory_space<vmem_shared>>
    tpu.wait_dma2 semaphore(%arg11 : memref<!tpu.dma_semaphore, #tpu.memory_space<semaphore_mem>>) src(%dma_wait3A_178 : memref<16x2048xf32, #tpu.memory_space<vmem_shared>>) dst(%dma_wait3A_174 : memref<16x2048xf32, #tpu.memory_space<hbm>>)
    return
  }
}

module attributes {stable_mosaic.version = 14 : i64} {
  func.func @_tc_body(%arg0: memref<4x1xf32, #tpu.memory_space<vmem>>, %arg1: memref<2048x2048xf32, #tpu.memory_space<vmem>>, %arg2: memref<1x2048xf32, #tpu.memory_space<vmem>>, %arg3: memref<2048x2048xf32, #tpu.memory_space<vmem>>, %arg4: memref<1x2048xf32, #tpu.memory_space<vmem>>, %arg5: memref<4x2048xf32, #tpu.memory_space<vmem>>, %arg6: memref<2x4096x128xf32, #tpu.memory_space<vmem>>) attributes {dimension_semantics = [], scalar_prefetch = 0 : i64, scratch_operands = 0 : i64, tpu.core_type = #tpu.core_type<tc>} {
    %iota3A = tpu.iota {dimensions = array<i32: 1>} : vector<4x1024xi32>
    %convert_element_type3A = arith.sitofp %iota3A : vector<4x1024xi32> to vector<4x1024xf32>
    %mul3A = arith.constant -0.00899447314 : f32
    %mul3A_0 = vector.broadcast %mul3A : f32 to vector<4x1024xf32>
    %mul3A_1 = arith.mulf %convert_element_type3A, %mul3A_0 : vector<4x1024xf32>
    %exp3A = math.exp %mul3A_1 : vector<4x1024xf32>
    %get3A = arith.constant 0 : index
    %get3A_2 = arith.constant 0 : index
    %get3A_3 = vector.load %arg0[%get3A, %get3A_2] : memref<4x1xf32, #tpu.memory_space<vmem>>, vector<4x1xf32>
    %mul3A_4 = vector.broadcast %get3A_3 : vector<4x1xf32> to vector<4x1024xf32>
    %mul3A_5 = arith.mulf %mul3A_4, %exp3A : vector<4x1024xf32>
    %sin3A = math.sin %mul3A_5 : vector<4x1024xf32>
    %cos3A = math.cos %mul3A_5 : vector<4x1024xf32>
    %concatenate3A = tpu.concatenate %sin3A, %cos3A in 1 : vector<4x1024xf32>, vector<4x1024xf32> -> vector<4x2048xf32>
    %get3A_6 = arith.constant 0 : index
    %get3A_7 = arith.constant 0 : index
    %get3A_8 = vector.load %arg1[%get3A_6, %get3A_7] : memref<2048x2048xf32, #tpu.memory_space<vmem>>, vector<2048x2048xf32>
    %dot_general3A = arith.constant dense<0.000000e+00> : vector<4x2048xf32>
    %dot_general3A_9 = tpu.matmul %concatenate3A, %get3A_8, %dot_general3A {dimension_numbers = #tpu.dot_dimension_numbers<[1], [0], [0], [1], [0, 0, 1, 1], [], []>, transpose_lhs_hint = false} : vector<4x2048xf32>, vector<2048x2048xf32>, vector<4x2048xf32> -> vector<4x2048xf32>
    %get3A_10 = arith.constant 0 : index
    %get3A_11 = arith.constant 0 : index
    %get3A_12 = vector.load %arg2[%get3A_10, %get3A_11] : memref<1x2048xf32, #tpu.memory_space<vmem>>, vector<1x2048xf32>
    %add3A = vector.broadcast %get3A_12 : vector<1x2048xf32> to vector<4x2048xf32>
    %add3A_13 = arith.addf %dot_general3A_9, %add3A : vector<4x2048xf32>
    %neg3A = arith.constant 0.000000e+00 : f32
    %neg3A_14 = vector.broadcast %neg3A : f32 to vector<4x2048xf32>
    %neg3A_15 = arith.subf %neg3A_14, %add3A_13 : vector<4x2048xf32>
    %exp3A_16 = math.exp %neg3A_15 : vector<4x2048xf32>
    %add3A_17 = arith.constant 1.000000e+00 : f32
    %add3A_18 = vector.broadcast %add3A_17 : f32 to vector<4x2048xf32>
    %add3A_19 = arith.addf %add3A_18, %exp3A_16 : vector<4x2048xf32>
    %div3A = arith.constant 1.000000e+00 : f32
    %div3A_20 = vector.broadcast %div3A : f32 to vector<4x2048xf32>
    %div3A_21 = arith.divf %div3A_20, %add3A_19 : vector<4x2048xf32>
    %mul3A_22 = arith.mulf %add3A_13, %div3A_21 : vector<4x2048xf32>
    %get3A_23 = arith.constant 0 : index
    %get3A_24 = arith.constant 0 : index
    %get3A_25 = vector.load %arg3[%get3A_23, %get3A_24] : memref<2048x2048xf32, #tpu.memory_space<vmem>>, vector<2048x2048xf32>
    %dot_general3A_26 = arith.constant dense<0.000000e+00> : vector<4x2048xf32>
    %dot_general3A_27 = tpu.matmul %mul3A_22, %get3A_25, %dot_general3A_26 {dimension_numbers = #tpu.dot_dimension_numbers<[1], [0], [0], [1], [0, 0, 1, 1], [], []>, transpose_lhs_hint = false} : vector<4x2048xf32>, vector<2048x2048xf32>, vector<4x2048xf32> -> vector<4x2048xf32>
    %get3A_28 = arith.constant 0 : index
    %get3A_29 = arith.constant 0 : index
    %get3A_30 = vector.load %arg4[%get3A_28, %get3A_29] : memref<1x2048xf32, #tpu.memory_space<vmem>>, vector<1x2048xf32>
    %add3A_31 = vector.broadcast %get3A_30 : vector<1x2048xf32> to vector<4x2048xf32>
    %add3A_32 = arith.addf %dot_general3A_27, %add3A_31 : vector<4x2048xf32>
    %swap3A = arith.constant 0 : index
    %swap3A_33 = arith.constant 0 : index
    %swap3A_34 = vector.load %arg5[%swap3A, %swap3A_33] : memref<4x2048xf32, #tpu.memory_space<vmem>>, vector<4x2048xf32>
    tpu.vector_store %arg5[%swap3A, %swap3A_33], %add3A_32 {strides = array<i32>} : memref<4x2048xf32, #tpu.memory_space<vmem>>, vector<4x2048xf32>,
    %iota3A_35 = tpu.iota {dimensions = array<i32: 0>} : vector<4096x64xi32>
    %convert_element_type3A_36 = arith.sitofp %iota3A_35 : vector<4096x64xi32> to vector<4096x64xf32>
    %iota3A_37 = tpu.iota {dimensions = array<i32: 1>} : vector<4096x64xi32>
    %convert_element_type3A_38 = arith.sitofp %iota3A_37 : vector<4096x64xi32> to vector<4096x64xf32>
    %mul3A_39 = arith.constant -0.14391157 : f32
    %mul3A_40 = vector.broadcast %mul3A_39 : f32 to vector<4096x64xf32>
    %mul3A_41 = arith.mulf %convert_element_type3A_38, %mul3A_40 : vector<4096x64xf32>
    %exp3A_42 = math.exp %mul3A_41 : vector<4096x64xf32>
    %mul3A_43 = arith.mulf %convert_element_type3A_36, %exp3A_42 : vector<4096x64xf32>
    %concatenate3A_44 = tpu.concatenate %mul3A_43, %mul3A_43 in 1 : vector<4096x64xf32>, vector<4096x64xf32> -> vector<4096x128xf32>
    %cos3A_45 = math.cos %concatenate3A_44 : vector<4096x128xf32>
    %swap3A_46 = arith.constant 0 : index
    %swap3A_47 = arith.constant 0 : index
    %swap3A_48 = arith.constant 0 : index
    %swap3A_49 = vector.load %arg6[%swap3A_46, %swap3A_47, %swap3A_48] : memref<2x4096x128xf32, #tpu.memory_space<vmem>>, vector<1x4096x128xf32>
    %swap3A_50 = vector.shape_cast %swap3A_49 : vector<1x4096x128xf32> to vector<4096x128xf32>
    %swap3A_51 = vector.shape_cast %cos3A_45 : vector<4096x128xf32> to vector<1x4096x128xf32>
    tpu.vector_store %arg6[%swap3A_46, %swap3A_47, %swap3A_48], %swap3A_51 {strides = array<i32>} : memref<2x4096x128xf32, #tpu.memory_space<vmem>>, vector<1x4096x128xf32>,
    %sin3A_52 = math.sin %concatenate3A_44 : vector<4096x128xf32>
    %swap3A_53 = arith.constant 1 : index
    %swap3A_54 = arith.constant 0 : index
    %swap3A_55 = arith.constant 0 : index
    %swap3A_56 = vector.load %arg6[%swap3A_53, %swap3A_54, %swap3A_55] : memref<2x4096x128xf32, #tpu.memory_space<vmem>>, vector<1x4096x128xf32>
    %swap3A_57 = vector.shape_cast %swap3A_56 : vector<1x4096x128xf32> to vector<4096x128xf32>
    %swap3A_58 = vector.shape_cast %sin3A_52 : vector<4096x128xf32> to vector<1x4096x128xf32>
    tpu.vector_store %arg6[%swap3A_53, %swap3A_54, %swap3A_55], %swap3A_58 {strides = array<i32>} : memref<2x4096x128xf32, #tpu.memory_space<vmem>>, vector<1x4096x128xf32>,
    return
  }
}

</mosaic_0001>

<sc_bundles>
// kernel: kernel.4.cloned.1.call-start
scs
__scs_entry_jumppad:
0x0: {  	(pc) =	sbr.rel $0x88, $3  }
0x1: {  	(tag) =	ssettag $0x0;
	lr =	simm.s32 $0x1  }
0x2: {  	[smem:$0x3F9A] =	sst lr;
	_ =	strace $0xD0000000  }
0x3: {  	_ = 	snop  }
0x4: {  	_ = 	snop  }
0x5: {  	_ = 	snop  }
0x6: {  	_ = 	snop  }
0x7: {  	_ = 	snop  }
__scs_overlays_trampoline_lowered:
0x8: {  	[smem:$0x3FA9] =	sst s0  }
0x9: {  	[smem:$0x3FAA] =	sst s1  }
0xa: {  	[smem:$0x3FAB] =	sst s2  }
0xb: {  	[smem:$0x3FAC] =	sst s3  }
0xc: {  	[smem:$0x3FAD] =	sst s4  }
0xd: {  	[smem:$0x3FAE] =	sst s5  }
0xe: {  	[smem:$0x3FAF] =	sst s6  }
0xf: {  	[smem:$0x3FB0] =	sst s7  }
0x10: {  	[smem:$0x3FB1] =	sst s8  }
0x11: {  	[smem:$0x3FB2] =	sst s9;
	s0 =	simm.s32 @!p0 $0x0  }
0x12: {  	s1 =	sld [smem:$0x3F98];
	s0 =	simm.s32 @p0 $0x1  }
0x13: {  	[smem:$0x3FB3] =	sst s0;
	s0 =	simm.s32 @!p1 $0x0  }
0x14: {  	s2 =	sld [smem:$0x3F97];
	s0 =	simm.s32 @p1 $0x1  }
0x15: {  	[smem:$0x3FB4] =	sst s0;
	s0 =	simm.s32 @!p2 $0x0  }
0x16: {  	s3 =	sld [smem:$0x3FDB];
	s0 =	simm.s32 @p2 $0x1  }
0x17: {  	s4 =	simm.s32 $0x1BF5;
	[smem:$0x3FB6] =	sst s0  }
0x18: {  	s0 =	sld [smem:$0x3F99];
	_ =	swait.ge [sflag:s4], $0x0  }
0x19: {  	s7 =	sld [smem:$0x3F9A]  }
0x1a: {  	s8 =	sadd.s32 $0xFFFFE003, lr  }
0x1b: {  	s9 =	sadd.s32 $0xFFFFFEF7, lr;
	s5 =	simm.s32 $0xFFFFFFFF;
	p2 =	slt.u32 s8, $0xFFFFF086  }
0x1c: {  	p1 =	slt.u32 s9, $0xF7A;
	s5 =	simm.s32 @!p2 $0x0  }
0x1d: {  	s5 =	simm.s32 @p1 $0x1;
	p0 =	seq.s32 s7, s2  }
0x1e: {  	s7 =	smul.u32 @!p0 $0xF7A, s2;
	p2 =	seq.s32 @!p0 s5, $0x0  }
0x1f: {  	s9 =	smul.u32 $0xF7A, s1;
	s8 =	simm.s32 @!p0 $0x1BF5;
	p2 =	por !p2, p0  }
0x20: {  	[sflag:s8] =	ssyncset.s32 @!p0 $0xFFFFF086;
	s6 =	sadd.s32 @!p0 s3, s7;
	s7 =	simm.s32 @!p0 $0x108  }
0x21: {  	s3 =	sadd.s32 s3, s9;
	s6 =	sadd.s32 @!p0 $0x88, s6;
	s7 =	simm.s32 @p2 $0x1082  }
0x22: {  	[simem:s7], [sflag:s8] =	dma.local @!p0 [hbm:s6], $0xF7A  }
0x23: {  	s9 =	sor.u32 $0xD0000000, s2;
	s6 =	simm.s32 $0x108;
	_ =	swait.ge @!p0 [sflag:s8], $0x0  }
0x24: {  	s3 =	sadd.s32 $0x88, s3;
	s6 =	simm.s32 @!p1 $0x1082;
	[sflag:s4] =	ssyncset.s32 $0xFFFFF086  }
0x25: {  	[simem:s6], [sflag:s4] =	dma.local [hbm:s3], $0xF7A  }
0x26: {  	[smem:$0x3F9A] =	sst s1;
	(tag) =	ssettag s2;
	_ =	strace s9  }
0x27: {  	s1 =	sld [smem:$0x3FAA]  }
0x28: {  	s2 =	sld [smem:$0x3FAB]  }
0x29: {  	s4 =	sld [smem:$0x3FAD]  }
0x2a: {  	p0 =	seq.s32 s5, $0x0;
	s5 =	sld [smem:$0x3FAE]  }
0x2b: {  	s6 =	sld [smem:$0x3FAF]  }
0x2c: {  	s7 =	sld [smem:$0x3FB0]  }
0x2d: {  	s3 =	simm.s32 $0x108;
	s8 =	sld [smem:$0x3FB1]  }
0x2e: {  	s3 =	simm.s32 @!p0 $0x1082;
	s9 =	sld [smem:$0x3FB2]  }
0x2f: {  	lr =	sadd.s32 s0, s3;
	s0 =	sld [smem:$0x3FA9]  }
0x30: {  	s3 =	sld [smem:$0x3FAC]  }
0x31: {  	[smem:$0x3FB5] =	sst s10  }
0x32: {  	s10 =	sld [smem:$0x3FB3];
	_ =	sdelay $0x3  }
0x33: {  	p0 =	seq.s32 s10, $0x1;
	s10 =	sld [smem:$0x3FB5];
	_ =	sdelay $0x3  }
0x34: {  	[smem:$0x3FB5] =	sst s10  }
0x35: {  	s10 =	sld [smem:$0x3FB4];
	_ =	sdelay $0x3  }
0x36: {  	p1 =	seq.s32 s10, $0x1;
	s10 =	sld [smem:$0x3FB5];
	_ =	sdelay $0x3  }
0x37: {  	[smem:$0x3FB5] =	sst s10  }
0x38: {  	s10 =	sld [smem:$0x3FB6]  }
0x39: {  	_ = 	snop;
	(pc) =	sbr.ind lr, $3  }
0x3a: {  	_ = 	snop  }
0x3b: {  	_ = 	snop  }
0x3c: {  	p2 =	seq.s32 s10, $0x1;
	s10 =	sld [smem:$0x3FB5]  }
0x3d: {  	_ =	shalt  }
0x3e: {  	_ =	shalt  }
0x3f: {  	_ =	shalt  }
0x40: {  	_ =	shalt  }
0x41: {  	_ =	shalt  }
0x42: {  	_ =	shalt  }
0x43: {  	_ =	shalt  }
0x44: {  	_ =	shalt  }
0x45: {  	_ =	shalt  }
0x46: {  	_ =	shalt  }
0x47: {  	_ =	shalt  }
0x48: {  	_ =	shalt  }
0x49: {  	_ =	shalt  }
0x4a: {  	_ =	shalt  }
0x4b: {  	_ =	shalt  }
0x4c: {  	_ =	shalt  }
0x4d: {  	_ =	shalt  }
0x4e: {  	_ =	shalt  }
0x4f: {  	_ =	shalt  }
0x50: {  	_ =	shalt  }
0x51: {  	_ =	shalt  }
0x52: {  	_ =	shalt  }
0x53: {  	_ =	shalt  }
0x54: {  	_ =	shalt  }
0x55: {  	_ =	shalt  }
0x56: {  	_ =	shalt  }
0x57: {  	_ =	shalt  }
0x58: {  	_ =	shalt  }
0x59: {  	_ =	shalt  }
0x5a: {  	_ =	shalt  }
0x5b: {  	_ =	shalt  }
0x5c: {  	_ =	shalt  }
0x5d: {  	_ =	shalt  }
0x5e: {  	_ =	shalt  }
0x5f: {  	_ =	shalt  }
0x60: {  	_ =	shalt  }
0x61: {  	_ =	shalt  }
0x62: {  	_ =	shalt  }
0x63: {  	_ =	shalt  }
0x64: {  	_ =	shalt  }
0x65: {  	_ =	shalt  }
0x66: {  	_ =	shalt  }
0x67: {  	_ =	shalt  }
0x68: {  	_ =	shalt  }
0x69: {  	_ =	shalt  }
0x6a: {  	_ =	shalt  }
0x6b: {  	_ =	shalt  }
0x6c: {  	_ =	shalt  }
0x6d: {  	_ =	shalt  }
0x6e: {  	_ =	shalt  }
0x6f: {  	_ =	shalt  }
0x70: {  	_ =	shalt  }
0x71: {  	_ =	shalt  }
0x72: {  	_ =	shalt  }
0x73: {  	_ =	shalt  }
0x74: {  	_ =	shalt  }
0x75: {  	_ =	shalt  }
0x76: {  	_ =	shalt  }
0x77: {  	_ =	shalt  }
0x78: {  	_ =	shalt  }
0x79: {  	_ =	shalt  }
0x7a: {  	_ =	shalt  }
0x7b: {  	_ =	shalt  }
0x7c: {  	_ =	shalt  }
0x7d: {  	_ =	shalt  }
0x7e: {  	_ =	shalt  }
0x7f: {  	_ =	shalt  }
0x80: {  	_ =	shalt  }
0x81: {  	_ =	shalt  }
0x82: {  	_ =	shalt  }
0x83: {  	_ =	shalt  }
0x84: {  	_ =	shalt  }
0x85: {  	_ =	shalt  }
0x86: {  	_ =	shalt  }
0x87: {  	_ =	shalt  }
.Lfunc_end0:
.L_simem_size_0:
called_computation_lowered:
.L_overlay_start_0:
0x88: {  	s2 =	sld [smem:$0x3FD9]  }
0x89: {  	s3 =	sld [smem:$0x3FFE];
	_ =	sdelay $0x1  }
0x8a: {  	s1 =	srdreg.scid  }
0x8b: {  	s0 =	sand.u32 $0x1, s1  }
0x8c: {  	s15 =	sshll.u32 s0, $0xA;
	s2 =	sadd.s32 s3, s2  }
0x8d: {  	s2 =	sadd.s32 s2, s15  }
0x8e: {  	[smem:$0x3FC1] =	sst s2  }
0x8f: {  	_ = 	snop  }
0x90: {  	s2 =	sld [smem:$0x3FD0];
	_ =	sdelay $0x1  }
0x91: {  	s16 =	sld [smem:$0x3FC9]  }
0x92: {  	s5 =	simm.s32 $0xA;
	s6 =	simm.s32 $0x10;
	s4 =	sld [smem:$0x3FC7]  }
0x93: {  	[smem:s6], [sflag:s5] =	dma.local [hbm:s2], $0x1  }
0x94: {  	_ =	swait.eq [sflag:s5], $0x1  }
0x95: {  	[sflag:s5] =	ssyncset.done $0x0  }
0x96: {  	[sflag:s5] =	ssyncadd.s32 $0xFFFFFFFF  }
0x97: {  	s17 =	sld [smem:$0x10];
	(tm) =	ssettm $0x1  }
0x98: {  	s18 =	sld [smem:$0x3FFB];
	_ =	sdelay $0x3  }
0x99: {  	_ =	strace s18  }
0x9a: {  	s5 =	sld [smem:$0x3FFC];
	_ =	sdelay $0x3  }
0x9b: {  	_ =	strace s5  }
0x9c: {  	s5 =	sld [smem:$0x3FFD];
	_ =	sdelay $0x3  }
0x9d: {  	_ =	strace s5  }
0x9e: {  	_ =	strace $0x8FFFFFFF  }
0x9f: {  	s19 =	sld [smem:$0x3FDB];
	_ =	sdelay $0x1  }
0xa0: {  	s20 =	simm.s32 $_scs_section_size  }
0xa1: {  	s7 =	simm.s32 $_size__tile_overlayer_lowered;
	s8 =	simm.s32 $_tile_overlayer_lowered  }
0xa2: {  	s23 =	simm.s32 $0x1BFF;
	s22 =	sshll.u32 s8, $0x1;
	s5 =	sadd.s32 s20, s19  }
0xa3: {  	s9 =	simm.s32 $0x0;
	s21 =	sshll.u32 s7, $0x1;
	s7 =	sadd.s32 s22, s5  }
0xa4: {  	[timem:s9], [sflag:s23] =	dma.local [hbm:s7], s21  }
0xa5: {  	_ =	swait.ge [sflag:s23], s21  }
0xa6: {  	s6 =	ssub.s32 $0x0, s21;
	[sflag:s23] =	ssyncset.done $0x0  }
0xa7: {  	[sflag:s23] =	ssyncadd.s32 s6;
	_ =	sdelay $0x1  }
0xa8: {  	s24 =	simm.s32 $0x1B8B  }
0xa9: {  	_ =	swait.ge [sflag:s24], $0x1  }
0xaa: {  	[sflag:s24] =	ssyncset.done $0x0  }
0xab: {  	s25 =	simm.s32 $0x1B8E;
	[sflag:s24] =	ssyncadd.s32 $0xFFFFFFFF  }
0xac: {  	s26 =	simm.s32 $execute0_lowered;
	[smem:$0x3FD2] =	sst s25  }
0xad: {  	s6 =	sshll.u32 s26, $0x1;
	_ =	strace $0x80000046;
	[dreg:$0x1] =	wrdreg $0xFFFFFFFF  }
0xae: {  	s28 =	simm.s32 $_size_execute0_lowered;
	s5 =	sadd.s32 s5, s6;
	[dreg:$0x0] =	wrdreg $0x0  }
0xaf: {  	s6 =	sshll.u32 s28, $0x1;
	[dreg:$0x2] =	wrdreg s5  }
0xb0: {  	[dreg:$0x3] =	wrdreg s6  }
0xb1: {  	[dreg:$0x4] =	wrdreg $0xC0  }
0xb2: {  	_ =	task [dreg:s9], $0x5FFFF  }
0xb3: {  	[dreg:$0x1] =	wrdreg $0xFFFFFFFF  }
0xb4: {  	[dreg:$0x0] =	wrdreg $0x60  }
0xb5: {  	[dreg:$0x2] =	wrdreg s16  }
0xb6: {  	[dreg:$0x3] =	wrdreg s4  }
0xb7: {  	[dreg:$0x4] =	wrdreg s17  }
0xb8: {  	[dreg:$0x5] =	wrdreg $0x2000  }
0xb9: {  	[dreg:$0x6] =	wrdreg $0x82000  }
0xba: {  	[dreg:$0x7] =	wrdreg $0x9  }
0xbb: {  	_ =	task.clear_ibuf [dreg:s9], $0x8FFFF;
	_ =	strace $0x90000046  }
0xbc: {  	s29 =	simm.s32 $0x9;
	_ =	strace $0x80000048  }
0xbd: {  	_ =	swait.ge [sflag:s29], $0x1  }
0xbe: {  	[sflag:s29] =	ssyncadd.s32 $0xFFFFFFFF  }
0xbf: {  	_ =	strace $0x90000048  }
0xc0: {  	_ =	sfence  }
0xc1: {  	s30 =	sld [smem:$0x0];
	_ =	sdelay $0x2  }
0xc2: {  	s31 =	sshll.u32 s1, $0xD;
	s1 =	sshrl.u32 s1, $0x2  }
0xc3: {  	s3 =	sand.u32 $0x4000, s31;
	s1 =	sadd.s32 s1, s30  }
0xc4: {  	s0 =	sor.u32 s3, s0;
	s1 =	sshll.u32 s1, $0x11  }
0xc5: {  	s0 =	sor.u32 s1, s0  }
0xc6: {  	s0 =	sadd.s32 $0x8F2B, s0  }
0xc7: {  	[sflag:s0] =	ssyncadd.remote.s32 $0x1  }
0xc8: {  	_ =	sfence.sel $0xFFFF  }
0xc9: {  	[dreg:$0x0] =	wrdreg $0xFFFFFFFF;
	(pc) =	sbr.abs _section_cstart, $3  }
0xca: {  	[dreg:$0x1] =	wrdreg $0xFFFFFFFF  }
0xcb: {  	_ =	task.clear_ibuf [dreg:s9], $0x2FFFF;
	_ =	strace $0x9FFFFFFF  }
0xcc: {  	(tm) =	ssettm $0x7FFFFFFF  }
0xcd: {  	_ =	shalt  }
tec
execute0_lowered:
.L_overlay_start_1:
0x0: {  	(tag) =	ssettag $0x1  }
0x1: {  	s2 =	rddreg [dreg:$0x0]  }
0x2: {  	s3 =	rddreg [dreg:$0x3]  }
0x3: {  	s0 =	srdreg.scid;
	s1 =	rddreg [dreg:$0x4];
	s5 =	simm.s32 $0x0  }
0x4: {  	s21 =	stileid.u32;
	s0 =	sand.u32 $0x1, s0;
	[smem:$0x7FF] =	sst s5  }
0x5: {  	s6 =	sshll.u32 s21, $0x9;
	s8 =	sshll.u32 s21, $0x2;
	s4 =	ssub.s32 $0x2, s0  }
0x6: {  	s7 =	sshll.u32 s0, $0x8;
	s16 =	sand.u32 $0x30, s8;
	s0 =	sshll.u32 s0, $0x11  }
0x7: {  	s14 =	sshrl.u32 s4, $0x1;
	s15 =	sor.u32 s7, s6;
	s2 =	sadd.s32 s2, s16  }
0x8: {  	s6 =	sshll.u32 s21, $0xF;
	s4 =	ssub.s32 s4, s14;
	s5 =	sand.u32 $0x700, s15  }
0x9: {  	s17 =	sadd.s32 s6, s3;
	s7 =	sor.u32 $0x180, s6;
	s8 =	sor.u32 $0x200, s6  }
0xa: {  	s22 =	sor.u32 $0x280, s6;
	s10 =	sor.u32 $0x300, s6;
	s24 =	sor.u32 $0x380, s6  }
0xb: {  	s25 =	sor.u32 $0x4000, s6;
	s13 =	sor.u32 $0x4080, s6;
	s28 =	sor.u32 $0x4100, s6  }
0xc: {  	s16 =	sor.u32 $0x4200, s6;
	s2 =	sadd.s32 s5, s2;
	[dreg:$0x7] =	wrdreg s17  }
0xd: {  	s30 =	sor.u32 $0x4280, s6;
	s20 =	sadd.s32 s7, s3;
	[dreg:$0x6] =	wrdreg s2  }
0xe: {  	s31 =	sor.u32 $0x4300, s6;
	s9 =	sadd.s32 s8, s3;
	[dreg:$0xa] =	wrdreg s20  }
0xf: {  	s5 =	sor.u32 $0x100, s6;
	s11 =	sadd.s32 s22, s3;
	[dreg:$0xb] =	wrdreg s9  }
0x10: {  	s23 =	sadd.s32 s10, s3;
	s12 =	sadd.s32 s24, s3;
	[dreg:$0xc] =	wrdreg s11  }
0x11: {  	s14 =	sadd.s32 s25, s3;
	s26 =	sadd.s32 s13, s3;
	[dreg:$0xd] =	wrdreg s23  }
0x12: {  	s15 =	sadd.s32 s28, s3;
	s29 =	sadd.s32 s16, s3;
	[dreg:$0xe] =	wrdreg s12  }
0x13: {  	s7 =	sadd.s32 s7, s1;
	s8 =	sadd.s32 s8, s1;
	[dreg:$0xf] =	wrdreg s14  }
0x14: {  	s24 =	sadd.s32 s24, s1;
	s25 =	sadd.s32 s25, s1;
	[dreg:$0x10] =	wrdreg s26  }
0x15: {  	s28 =	sadd.s32 s28, s1;
	s2 =	sor.u32 $0x80, s6;
	[dreg:$0x11] =	wrdreg s15  }
0x16: {  	s19 =	sadd.s32 s5, s3;
	s23 =	sor.u32 $0x4180, s6;
	[dreg:$0x13] =	wrdreg s29  }
0x17: {  	s20 =	sadd.s32 s31, s3;
	s5 =	sadd.s32 s5, s1;
	s29 =	rddreg [dreg:$0x2]  }
0x18: {  	s9 =	sadd.s32 s22, s1;
	s22 =	sadd.s32 s10, s1;
	[dreg:$0x9] =	wrdreg s19  }
0x19: {  	s26 =	sadd.s32 s13, s1;
	s15 =	sadd.s32 s16, s1;
	[dreg:$0x15] =	wrdreg s20  }
0x1a: {  	s16 =	sadd.s32 s30, s1;
	s18 =	sadd.s32 s2, s3;
	s20 =	rddreg [dreg:$0x1]  }
0x1b: {  	s17 =	sadd.s32 s23, s3;
	s19 =	sor.u32 $0x4380, s6;
	[dreg:$0x8] =	wrdreg s18  }
0x1c: {  	[dreg:$0x12] =	wrdreg s17;
	s18 =	sadd.s32 s30, s3;
	s30 =	sshll.u32 s21, $0x12  }
0x1d: {  	s3 =	sadd.s32 s19, s3;
	[dreg:$0x14] =	wrdreg s18;
	s18 =	sadd.s32 s30, s29  }
0x1e: {  	s2 =	sadd.s32 s2, s1;
	[dreg:$0x16] =	wrdreg s3;
	s0 =	sadd.s32 s0, s18  }
0x1f: {  	s17 =	sadd.s32 s31, s1;
	s31 =	smax.u32 s4, $0x1;
	[dreg:$0x17] =	wrdreg s0  }
0x20: {  	s4 =	sshrl.u32 s2, $0x3;
	_ =	strace $0x80000047;
	[dreg:$0x18] =	wrdreg s31  }
0x21: {  	s6 =	sadd.s32 s6, s1;
	s5 =	sshrl.u32 s5, $0x3;
	[dreg:$0x19] =	wrdreg s4  }
0x22: {  	s14 =	sadd.s32 s23, s1;
	s18 =	sshrl.u32 s7, $0x3;
	[dreg:$0x1a] =	wrdreg s5  }
0x23: {  	s1 =	sadd.s32 s19, s1;
	s19 =	sshrl.u32 s8, $0x3;
	[dreg:$0x1b] =	wrdreg s18  }
0x24: {  	s21 =	sshrl.u32 s9, $0x3;
	[dreg:$0x1c] =	wrdreg s19  }
0x25: {  	s22 =	sshrl.u32 s22, $0x3;
	[dreg:$0x1d] =	wrdreg s21  }
0x26: {  	s24 =	sshrl.u32 s24, $0x3;
	s25 =	sshrl.u32 s25, $0x3;
	[dreg:$0x1e] =	wrdreg s22  }
0x27: {  	s28 =	sshrl.u32 s28, $0x3;
	s10 =	simm.s32 $0x2;
	[dreg:$0x1f] =	wrdreg s24  }
0x28: {  	s11 =	simm.s32 $0x3;
	s26 =	sshrl.u32 s26, $0x3;
	[smem:$0x7F8] =	sst s25  }
.Ltmp0:
0x29: {  	s23 =	sshrl.u32 s6, $0x3;
	[smem:$0x7F9] =	sst s26;
	(pc) =	sbr.rel .LBB2_1-.Ltmp0, $4  }
0x2a: {  	s9 =	simm.s32 $0x1;
	s29 =	sshrl.u32 s14, $0x3;
	[smem:$0x7FA] =	sst s28  }
0x2b: {  	s2 =	simm.s32 $0x0;
	s30 =	sshrl.u32 s15, $0x3;
	[smem:$0x7FB] =	sst s29  }
0x2c: {  	s6 =	sshrl.u32 s1, $0x3;
	[smem:$0x7FC] =	sst s30;
	s31 =	sshrl.u32 s16, $0x3  }
0x2d: {  	s7 =	simm.s32 $0x80;
	s5 =	sshrl.u32 s17, $0x3;
	[smem:$0x7FD] =	sst s31  }
.LBB2_4:
0x2e: {  	s1 =	simm.s32 $0x4  }
0x2f: {  	_ =	swait.ge [sflag:s1], $0x1000  }
0x30: {  	s2 =	sld [smem:$0x7F7];
	_ =	sdelay $0x2  }
0x31: {  	s0 =	rddreg [dreg:$0x18];
	s2 =	sadd.s32 $0x1, s2  }
0x32: {  	p0 =	sne.s32 s2, s0  }
.Ltmp1:
0x33: {  	_ = 	snop;
	(pc) =	sbr.rel @!p0 .LBB2_5-.Ltmp1, $3  }
0x34: {  	_ =	sdelay $0x1  }
0x35: {  	[sflag:s1] =	ssyncset.done $0x0  }
0x36: {  	[sflag:s1] =	ssyncadd.s32 $0xFFFFF000  }
.LBB2_1:
0x37: {  	[smem:$0x7F7] =	sst s2;
	s0 =	simm.s32 $0x0  }
0x38: {  	s1 =	rddreg [dreg:$0x6];
	s19 =	simm.s32 $0x200;
	s21 =	simm.s32 $0x5  }
0x39: {  	[tilespmem:s0], [sflag:$0x5] =	stream.strided.gather [hbm4b:s1+s7], $0x200, s19, s7, $0x38;
	[tilespmem:$0x10200] =	vst v63  }
0x3a: {  	_ =	swait.ge [sflag:s21], $0x200  }
0x3b: {  	[sflag:s21] =	ssyncset.done $0x0  }
0x3c: {  	[sflag:s21] =	ssyncadd.s32 $0xFFFFFE00  }
0x3d: {  	v0 =	vld [tilespmem:$0x0];
	_ =	sdelay $0x4  }
0x3e: {  	(v2sf) =	vpush v0, $0x0;
	_ =	sdelay $0xe  }
0x3f: {  	s22 =	spop (v2sf)  }
0x40: {  	s24 =	sshll.u32 s22, $0xB;
	s0 =	sshll.u32 s22, $0x7  }
0x41: {  	s1 =	sand.u32 $0xFFFFC000, s24;
	s0 =	sand.u32 $0x380, s0  }
0x42: {  	s25 =	stileid.u32;
	s0 =	sor.u32 s0, s1  }
0x43: {  	s14 =	sshll.u32 s25, $0x6;
	s26 =	rddreg [dreg:$0x7];
	s0 =	sshrl.u32 s0, $0x3  }
0x44: {  	s15 =	sor.u32 $0x1C01, s14;
	s16 =	sshrl.u32 s26, $0x3;
	s0 =	sadd.s32 s20, s0  }
0x45: {  	[spmem:s16@s7], [sflag:s15] =	dma.strided [hbm:s0@s7], $0x100, s9, $0x10   }
0x46: {  	(v2sf) =	vpush v0, $0x1;
	_ =	sdelay $0xe  }
0x47: {  	s0 =	spop (v2sf)  }
0x48: {  	s2 =	sshll.u32 s0, $0xB;
	s0 =	sshll.u32 s0, $0x7  }
0x49: {  	s1 =	sand.u32 $0xFFFFC000, s2;
	s0 =	sand.u32 $0x380, s0  }
0x4a: {  	s0 =	sor.u32 s0, s1  }
0x4b: {  	s3 =	rddreg [dreg:$0x8];
	s0 =	sshrl.u32 s0, $0x3  }
0x4c: {  	s17 =	sshrl.u32 s3, $0x3;
	s0 =	sadd.s32 s20, s0  }
0x4d: {  	[spmem:s17@s7], [sflag:s15] =	dma.strided [hbm:s0@s7], $0x100, s9, $0x10   }
0x4e: {  	(v2sf) =	vpush v0, $0x2;
	_ =	sdelay $0xe  }
0x4f: {  	s0 =	spop (v2sf)  }
0x50: {  	s4 =	sshll.u32 s0, $0xB;
	s0 =	sshll.u32 s0, $0x7  }
0x51: {  	s1 =	sand.u32 $0xFFFFC000, s4;
	s0 =	sand.u32 $0x380, s0  }
0x52: {  	s0 =	sor.u32 s0, s1  }
0x53: {  	s8 =	rddreg [dreg:$0x9];
	s0 =	sshrl.u32 s0, $0x3  }
0x54: {  	s18 =	sshrl.u32 s8, $0x3;
	s0 =	sadd.s32 s20, s0  }
0x55: {  	[spmem:s18@s7], [sflag:s15] =	dma.strided [hbm:s0@s7], $0x100, s9, $0x10   }
0x56: {  	(v2sf) =	vpush v0, $0x3;
	_ =	sdelay $0xe  }
0x57: {  	s0 =	spop (v2sf)  }
0x58: {  	s12 =	sshll.u32 s0, $0xB;
	s0 =	sshll.u32 s0, $0x7  }
0x59: {  	s1 =	sand.u32 $0xFFFFC000, s12;
	s0 =	sand.u32 $0x380, s0  }
0x5a: {  	s0 =	sor.u32 s0, s1  }
0x5b: {  	s13 =	rddreg [dreg:$0xa];
	s0 =	sshrl.u32 s0, $0x3  }
0x5c: {  	s22 =	sshrl.u32 s13, $0x3;
	s0 =	sadd.s32 s20, s0  }
0x5d: {  	[spmem:s22@s7], [sflag:s15] =	dma.strided [hbm:s0@s7], $0x100, s9, $0x10   }
0x5e: {  	(v2sf) =	vpush v0, $0x4;
	_ =	sdelay $0xe  }
0x5f: {  	s0 =	spop (v2sf)  }
0x60: {  	s19 =	sshll.u32 s0, $0xB;
	s0 =	sshll.u32 s0, $0x7  }
0x61: {  	s1 =	sand.u32 $0xFFFFC000, s19;
	s0 =	sand.u32 $0x380, s0  }
0x62: {  	s0 =	sor.u32 s0, s1  }
0x63: {  	s21 =	rddreg [dreg:$0xb];
	s0 =	sshrl.u32 s0, $0x3  }
0x64: {  	s8 =	sshrl.u32 s21, $0x3;
	s0 =	sadd.s32 s20, s0  }
0x65: {  	[spmem:s8@s7], [sflag:s15] =	dma.strided [hbm:s0@s7], $0x100, s9, $0x10   }
0x66: {  	(v2sf) =	vpush v0, $0x5;
	_ =	sdelay $0xe  }
0x67: {  	s0 =	spop (v2sf)  }
0x68: {  	s24 =	sshll.u32 s0, $0xB;
	s0 =	sshll.u32 s0, $0x7  }
0x69: {  	s1 =	sand.u32 $0xFFFFC000, s24;
	s0 =	sand.u32 $0x380, s0  }
0x6a: {  	s0 =	sor.u32 s0, s1  }
0x6b: {  	s25 =	rddreg [dreg:$0xc];
	s0 =	sshrl.u32 s0, $0x3  }
0x6c: {  	s12 =	sshrl.u32 s25, $0x3;
	s0 =	sadd.s32 s20, s0  }
0x6d: {  	[spmem:s12@s7], [sflag:s15] =	dma.strided [hbm:s0@s7], $0x100, s9, $0x10   }
0x6e: {  	(v2sf) =	vpush v0, $0x6;
	_ =	sdelay $0xe  }
0x6f: {  	s0 =	spop (v2sf)  }
0x70: {  	s26 =	sshll.u32 s0, $0xB;
	s0 =	sshll.u32 s0, $0x7  }
0x71: {  	s1 =	sand.u32 $0xFFFFC000, s26;
	s0 =	sand.u32 $0x380, s0  }
0x72: {  	s0 =	sor.u32 s0, s1  }
0x73: {  	s2 =	rddreg [dreg:$0xd];
	s0 =	sshrl.u32 s0, $0x3  }
0x74: {  	s13 =	sshrl.u32 s2, $0x3;
	s0 =	sadd.s32 s20, s0  }
0x75: {  	[spmem:s13@s7], [sflag:s15] =	dma.strided [hbm:s0@s7], $0x100, s9, $0x10   }
0x76: {  	(v2sf) =	vpush v0, $0x7;
	_ =	sdelay $0xe  }
0x77: {  	s0 =	spop (v2sf)  }
0x78: {  	s3 =	sshll.u32 s0, $0xB;
	s0 =	sshll.u32 s0, $0x7  }
0x79: {  	s1 =	sand.u32 $0xFFFFC000, s3;
	s0 =	sand.u32 $0x380, s0  }
0x7a: {  	s0 =	sor.u32 s0, s1  }
0x7b: {  	s4 =	rddreg [dreg:$0xe];
	s0 =	sshrl.u32 s0, $0x3  }
0x7c: {  	s21 =	sshrl.u32 s4, $0x3;
	s0 =	sadd.s32 s20, s0  }
0x7d: {  	[spmem:s21@s7], [sflag:s15] =	dma.strided [hbm:s0@s7], $0x100, s9, $0x10   }
0x7e: {  	(v2sf) =	vpush v0, $0x8;
	_ =	sdelay $0xe  }
0x7f: {  	s0 =	spop (v2sf)  }
0x80: {  	s19 =	sshll.u32 s0, $0xB;
	s0 =	sshll.u32 s0, $0x7  }
0x81: {  	s1 =	sand.u32 $0xFFFFC000, s19;
	s0 =	sand.u32 $0x380, s0  }
0x82: {  	s0 =	sor.u32 s0, s1  }
0x83: {  	s24 =	rddreg [dreg:$0xf];
	s0 =	sshrl.u32 s0, $0x3  }
0x84: {  	s24 =	sshrl.u32 s24, $0x3;
	s0 =	sadd.s32 s20, s0  }
0x85: {  	[spmem:s24@s7], [sflag:s15] =	dma.strided [hbm:s0@s7], $0x100, s9, $0x10   }
0x86: {  	(v2sf) =	vpush v0, $0x9;
	_ =	sdelay $0xe  }
0x87: {  	s0 =	spop (v2sf)  }
0x88: {  	s25 =	sshll.u32 s0, $0xB;
	s0 =	sshll.u32 s0, $0x7  }
0x89: {  	s1 =	sand.u32 $0xFFFFC000, s25;
	s0 =	sand.u32 $0x380, s0  }
0x8a: {  	s0 =	sor.u32 s0, s1  }
0x8b: {  	s26 =	rddreg [dreg:$0x10];
	s0 =	sshrl.u32 s0, $0x3  }
0x8c: {  	s25 =	sshrl.u32 s26, $0x3;
	s0 =	sadd.s32 s20, s0  }
0x8d: {  	[spmem:s25@s7], [sflag:s15] =	dma.strided [hbm:s0@s7], $0x100, s9, $0x10   }
0x8e: {  	(v2sf) =	vpush v0, $0xA;
	_ =	sdelay $0xe  }
0x8f: {  	s0 =	spop (v2sf)  }
0x90: {  	s2 =	sshll.u32 s0, $0xB;
	s0 =	sshll.u32 s0, $0x7  }
0x91: {  	s1 =	sand.u32 $0xFFFFC000, s2;
	s0 =	sand.u32 $0x380, s0  }
0x92: {  	s0 =	sor.u32 s0, s1  }
0x93: {  	s3 =	rddreg [dreg:$0x11];
	s0 =	sshrl.u32 s0, $0x3  }
0x94: {  	s26 =	sshrl.u32 s3, $0x3;
	s0 =	sadd.s32 s20, s0  }
0x95: {  	[spmem:s26@s7], [sflag:s15] =	dma.strided [hbm:s0@s7], $0x100, s9, $0x10   }
0x96: {  	(v2sf) =	vpush v0, $0xB;
	_ =	sdelay $0xe  }
0x97: {  	s0 =	spop (v2sf)  }
0x98: {  	s4 =	sshll.u32 s0, $0xB;
	s0 =	sshll.u32 s0, $0x7  }
0x99: {  	s1 =	sand.u32 $0xFFFFC000, s4;
	s0 =	sand.u32 $0x380, s0  }
0x9a: {  	s0 =	sor.u32 s0, s1  }
0x9b: {  	s19 =	rddreg [dreg:$0x12];
	s0 =	sshrl.u32 s0, $0x3  }
0x9c: {  	s28 =	sshrl.u32 s19, $0x3;
	s0 =	sadd.s32 s20, s0  }
0x9d: {  	[spmem:s28@s7], [sflag:s15] =	dma.strided [hbm:s0@s7], $0x100, s9, $0x10   }
0x9e: {  	(v2sf) =	vpush v0, $0xC;
	_ =	sdelay $0xe  }
0x9f: {  	s0 =	spop (v2sf)  }
0xa0: {  	s2 =	sshll.u32 s0, $0xB;
	s0 =	sshll.u32 s0, $0x7  }
0xa1: {  	s1 =	sand.u32 $0xFFFFC000, s2;
	s0 =	sand.u32 $0x380, s0  }
0xa2: {  	s0 =	sor.u32 s0, s1  }
0xa3: {  	s3 =	rddreg [dreg:$0x13];
	s0 =	sshrl.u32 s0, $0x3  }
0xa4: {  	s29 =	sshrl.u32 s3, $0x3;
	s0 =	sadd.s32 s20, s0  }
0xa5: {  	[spmem:s29@s7], [sflag:s15] =	dma.strided [hbm:s0@s7], $0x100, s9, $0x10   }
0xa6: {  	(v2sf) =	vpush v0, $0xD;
	_ =	sdelay $0xe  }
0xa7: {  	s0 =	spop (v2sf)  }
0xa8: {  	s4 =	sshll.u32 s0, $0xB;
	s0 =	sshll.u32 s0, $0x7  }
0xa9: {  	s1 =	sand.u32 $0xFFFFC000, s4;
	s0 =	sand.u32 $0x380, s0  }
0xaa: {  	s0 =	sor.u32 s0, s1  }
0xab: {  	s19 =	rddreg [dreg:$0x14];
	s0 =	sshrl.u32 s0, $0x3  }
0xac: {  	s30 =	sshrl.u32 s19, $0x3;
	s0 =	sadd.s32 s20, s0  }
0xad: {  	[spmem:s30@s7], [sflag:s15] =	dma.strided [hbm:s0@s7], $0x100, s9, $0x10   }
0xae: {  	(v2sf) =	vpush v0, $0xE;
	_ =	sdelay $0xe  }
0xaf: {  	s0 =	spop (v2sf)  }
0xb0: {  	s2 =	sshll.u32 s0, $0xB;
	s0 =	sshll.u32 s0, $0x7  }
0xb1: {  	s1 =	sand.u32 $0xFFFFC000, s2;
	s0 =	sand.u32 $0x380, s0  }
0xb2: {  	s0 =	sor.u32 s0, s1  }
0xb3: {  	s3 =	rddreg [dreg:$0x15];
	s0 =	sshrl.u32 s0, $0x3  }
0xb4: {  	s31 =	sshrl.u32 s3, $0x3;
	s0 =	sadd.s32 s20, s0  }
0xb5: {  	[spmem:s31@s7], [sflag:s15] =	dma.strided [hbm:s0@s7], $0x100, s9, $0x10   }
0xb6: {  	(v2sf) =	vpush v0, $0xF;
	_ =	sdelay $0xe  }
0xb7: {  	s0 =	spop (v2sf)  }
0xb8: {  	s4 =	sshll.u32 s0, $0xB;
	s0 =	sshll.u32 s0, $0x7  }
0xb9: {  	s1 =	sand.u32 $0xFFFFC000, s4;
	s0 =	sand.u32 $0x380, s0  }
0xba: {  	s0 =	sor.u32 s0, s1  }
0xbb: {  	s19 =	rddreg [dreg:$0x16];
	s0 =	sshrl.u32 s0, $0x3  }
0xbc: {  	s19 =	sshrl.u32 s19, $0x3;
	s0 =	sadd.s32 s20, s0  }
0xbd: {  	[spmem:s19@s7], [sflag:s15] =	dma.strided [hbm:s0@s7], $0x100, s9, $0x10   }
0xbe: {  	s1 =	simm.s32 $0x20;
	s0 =	simm.s32 $0x0  }
.LBB2_2:
0xbf: {  	p0 =	seq.s32 s0, $0x0  }
0xc0: {  	s2 =	simm.s32 @!p0 $0x4  }
0xc1: {  	_ =	swait.ge @!p0 [sflag:s2], $0x1000  }
0xc2: {  	[sflag:s2] =	ssyncset.done @!p0 $0x0  }
0xc3: {  	[sflag:s2] =	ssyncadd.s32 @!p0 $0xFFFFF000  }
0xc4: {  	v0 =	vld [tilespmem:s1+$0xFFFFFFF0];
	_ =	sdelay $0x4  }
0xc5: {  	(v2sf) =	vpush v0, $0x0;
	_ =	sdelay $0xe  }
0xc6: {  	s4 =	spop (v2sf)  }
0xc7: {  	s3 =	sshll.u32 s4, $0xB;
	s2 =	sshll.u32 s4, $0x7  }
0xc8: {  	s3 =	sand.u32 $0xFFFFC000, s3;
	s2 =	sand.u32 $0x380, s2  }
0xc9: {  	s2 =	sor.u32 s2, s3  }
0xca: {  	s2 =	sshrl.u32 s2, $0x3  }
0xcb: {  	s4 =	sadd.s32 s20, s2;
	s2 =	sor.u32 $0x1C02, s14  }
0xcc: {  	[spmem:s23@s7], [sflag:s2] =	dma.strided [hbm:s4@s7], $0x100, s9, $0x10   }
0xcd: {  	(v2sf) =	vpush v0, $0x1;
	_ =	sdelay $0xe  }
0xce: {  	s3 =	spop (v2sf)  }
0xcf: {  	s4 =	sshll.u32 s3, $0xB;
	s3 =	sshll.u32 s3, $0x7  }
0xd0: {  	s4 =	sand.u32 $0xFFFFC000, s4;
	s3 =	sand.u32 $0x380, s3  }
0xd1: {  	s3 =	sor.u32 s3, s4  }
0xd2: {  	s3 =	sshrl.u32 s3, $0x3  }
0xd3: {  	s4 =	rddreg [dreg:$0x19];
	s3 =	sadd.s32 s20, s3  }
0xd4: {  	[spmem:s4@s7], [sflag:s2] =	dma.strided [hbm:s3@s7], $0x100, s9, $0x10   }
0xd5: {  	(v2sf) =	vpush v0, $0x2;
	_ =	sdelay $0xe  }
0xd6: {  	s3 =	spop (v2sf)  }
0xd7: {  	s4 =	sshll.u32 s3, $0xB;
	s3 =	sshll.u32 s3, $0x7  }
0xd8: {  	s4 =	sand.u32 $0xFFFFC000, s4;
	s3 =	sand.u32 $0x380, s3  }
0xd9: {  	s3 =	sor.u32 s3, s4  }
0xda: {  	s3 =	sshrl.u32 s3, $0x3  }
0xdb: {  	s4 =	rddreg [dreg:$0x1a];
	s3 =	sadd.s32 s20, s3  }
0xdc: {  	[spmem:s4@s7], [sflag:s2] =	dma.strided [hbm:s3@s7], $0x100, s9, $0x10   }
0xdd: {  	(v2sf) =	vpush v0, $0x3;
	_ =	sdelay $0xe  }
0xde: {  	s3 =	spop (v2sf)  }
0xdf: {  	s4 =	sshll.u32 s3, $0xB;
	s3 =	sshll.u32 s3, $0x7  }
0xe0: {  	s4 =	sand.u32 $0xFFFFC000, s4;
	s3 =	sand.u32 $0x380, s3  }
0xe1: {  	s3 =	sor.u32 s3, s4  }
0xe2: {  	s3 =	sshrl.u32 s3, $0x3  }
0xe3: {  	s4 =	rddreg [dreg:$0x1b];
	s3 =	sadd.s32 s20, s3  }
0xe4: {  	[spmem:s4@s7], [sflag:s2] =	dma.strided [hbm:s3@s7], $0x100, s9, $0x10   }
0xe5: {  	(v2sf) =	vpush v0, $0x4;
	_ =	sdelay $0xe  }
0xe6: {  	s3 =	spop (v2sf)  }
0xe7: {  	s4 =	sshll.u32 s3, $0xB;
	s3 =	sshll.u32 s3, $0x7  }
0xe8: {  	s4 =	sand.u32 $0xFFFFC000, s4;
	s3 =	sand.u32 $0x380, s3  }
0xe9: {  	s3 =	sor.u32 s3, s4  }
0xea: {  	s3 =	sshrl.u32 s3, $0x3  }
0xeb: {  	s4 =	rddreg [dreg:$0x1c];
	s3 =	sadd.s32 s20, s3  }
0xec: {  	[spmem:s4@s7], [sflag:s2] =	dma.strided [hbm:s3@s7], $0x100, s9, $0x10   }
0xed: {  	(v2sf) =	vpush v0, $0x5;
	_ =	sdelay $0xe  }
0xee: {  	s3 =	spop (v2sf)  }
0xef: {  	s4 =	sshll.u32 s3, $0xB;
	s3 =	sshll.u32 s3, $0x7  }
0xf0: {  	s4 =	sand.u32 $0xFFFFC000, s4;
	s3 =	sand.u32 $0x380, s3  }
0xf1: {  	s3 =	sor.u32 s3, s4  }
0xf2: {  	s3 =	sshrl.u32 s3, $0x3  }
0xf3: {  	s4 =	rddreg [dreg:$0x1d];
	s3 =	sadd.s32 s20, s3  }
0xf4: {  	[spmem:s4@s7], [sflag:s2] =	dma.strided [hbm:s3@s7], $0x100, s9, $0x10   }
0xf5: {  	(v2sf) =	vpush v0, $0x6;
	_ =	sdelay $0xe  }
0xf6: {  	s3 =	spop (v2sf)  }
0xf7: {  	s4 =	sshll.u32 s3, $0xB;
	s3 =	sshll.u32 s3, $0x7  }
0xf8: {  	s4 =	sand.u32 $0xFFFFC000, s4;
	s3 =	sand.u32 $0x380, s3  }
0xf9: {  	s3 =	sor.u32 s3, s4  }
0xfa: {  	s3 =	sshrl.u32 s3, $0x3  }
0xfb: {  	s4 =	rddreg [dreg:$0x1e];
	s3 =	sadd.s32 s20, s3  }
0xfc: {  	[spmem:s4@s7], [sflag:s2] =	dma.strided [hbm:s3@s7], $0x100, s9, $0x10   }
0xfd: {  	(v2sf) =	vpush v0, $0x7;
	_ =	sdelay $0xe  }
0xfe: {  	s3 =	spop (v2sf)  }
0xff: {  	s4 =	sshll.u32 s3, $0xB;
	s3 =	sshll.u32 s3, $0x7  }
0x100: {  	s4 =	sand.u32 $0xFFFFC000, s4;
	s3 =	sand.u32 $0x380, s3  }
0x101: {  	s3 =	sor.u32 s3, s4  }
0x102: {  	s3 =	sshrl.u32 s3, $0x3  }
0x103: {  	s4 =	rddreg [dreg:$0x1f];
	s3 =	sadd.s32 s20, s3  }
0x104: {  	[spmem:s4@s7], [sflag:s2] =	dma.strided [hbm:s3@s7], $0x100, s9, $0x10   }
0x105: {  	(v2sf) =	vpush v0, $0x8;
	_ =	sdelay $0xe  }
0x106: {  	s3 =	spop (v2sf)  }
0x107: {  	s4 =	sshll.u32 s3, $0xB;
	s3 =	sshll.u32 s3, $0x7  }
0x108: {  	s4 =	sand.u32 $0xFFFFC000, s4;
	s3 =	sand.u32 $0x380, s3  }
0x109: {  	s3 =	sor.u32 s3, s4;
	s4 =	sld [smem:$0x7F8]  }
0x10a: {  	s3 =	sshrl.u32 s3, $0x3  }
0x10b: {  	s3 =	sadd.s32 s20, s3  }
0x10c: {  	[spmem:s4@s7], [sflag:s2] =	dma.strided [hbm:s3@s7], $0x100, s9, $0x10   }
0x10d: {  	(v2sf) =	vpush v0, $0x9;
	_ =	sdelay $0xe  }
0x10e: {  	s3 =	spop (v2sf)  }
0x10f: {  	s4 =	sshll.u32 s3, $0xB;
	s3 =	sshll.u32 s3, $0x7  }
0x110: {  	s4 =	sand.u32 $0xFFFFC000, s4;
	s3 =	sand.u32 $0x380, s3  }
0x111: {  	s3 =	sor.u32 s3, s4;
	s4 =	sld [smem:$0x7F9]  }
0x112: {  	s3 =	sshrl.u32 s3, $0x3  }
0x113: {  	s3 =	sadd.s32 s20, s3  }
0x114: {  	[spmem:s4@s7], [sflag:s2] =	dma.strided [hbm:s3@s7], $0x100, s9, $0x10   }
0x115: {  	(v2sf) =	vpush v0, $0xA;
	_ =	sdelay $0xe  }
0x116: {  	s3 =	spop (v2sf)  }
0x117: {  	s4 =	sshll.u32 s3, $0xB;
	s3 =	sshll.u32 s3, $0x7  }
0x118: {  	s4 =	sand.u32 $0xFFFFC000, s4;
	s3 =	sand.u32 $0x380, s3  }
0x119: {  	s3 =	sor.u32 s3, s4;
	s4 =	sld [smem:$0x7FA]  }
0x11a: {  	s3 =	sshrl.u32 s3, $0x3  }
0x11b: {  	s3 =	sadd.s32 s20, s3  }
0x11c: {  	[spmem:s4@s7], [sflag:s2] =	dma.strided [hbm:s3@s7], $0x100, s9, $0x10   }
0x11d: {  	(v2sf) =	vpush v0, $0xB;
	_ =	sdelay $0xe  }
0x11e: {  	s3 =	spop (v2sf)  }
0x11f: {  	s4 =	sshll.u32 s3, $0xB;
	s3 =	sshll.u32 s3, $0x7  }
0x120: {  	s4 =	sand.u32 $0xFFFFC000, s4;
	s3 =	sand.u32 $0x380, s3  }
0x121: {  	s3 =	sor.u32 s3, s4;
	s4 =	sld [smem:$0x7FB]  }
0x122: {  	s3 =	sshrl.u32 s3, $0x3  }
0x123: {  	s3 =	sadd.s32 s20, s3  }
0x124: {  	[spmem:s4@s7], [sflag:s2] =	dma.strided [hbm:s3@s7], $0x100, s9, $0x10   }
0x125: {  	(v2sf) =	vpush v0, $0xC;
	_ =	sdelay $0xe  }
0x126: {  	s3 =	spop (v2sf)  }
0x127: {  	s4 =	sshll.u32 s3, $0xB;
	s3 =	sshll.u32 s3, $0x7  }
0x128: {  	s4 =	sand.u32 $0xFFFFC000, s4;
	s3 =	sand.u32 $0x380, s3  }
0x129: {  	s3 =	sor.u32 s3, s4;
	s4 =	sld [smem:$0x7FC]  }
0x12a: {  	s3 =	sshrl.u32 s3, $0x3  }
0x12b: {  	s3 =	sadd.s32 s20, s3  }
0x12c: {  	[spmem:s4@s7], [sflag:s2] =	dma.strided [hbm:s3@s7], $0x100, s9, $0x10   }
0x12d: {  	(v2sf) =	vpush v0, $0xD;
	_ =	sdelay $0xe  }
0x12e: {  	s3 =	spop (v2sf)  }
0x12f: {  	s4 =	sshll.u32 s3, $0xB;
	s3 =	sshll.u32 s3, $0x7  }
0x130: {  	s4 =	sand.u32 $0xFFFFC000, s4;
	s3 =	sand.u32 $0x380, s3  }
0x131: {  	s3 =	sor.u32 s3, s4;
	s4 =	sld [smem:$0x7FD]  }
0x132: {  	s3 =	sshrl.u32 s3, $0x3  }
0x133: {  	s3 =	sadd.s32 s20, s3  }
0x134: {  	[spmem:s4@s7], [sflag:s2] =	dma.strided [hbm:s3@s7], $0x100, s9, $0x10   }
0x135: {  	(v2sf) =	vpush v0, $0xE;
	_ =	sdelay $0xe  }
0x136: {  	s3 =	spop (v2sf)  }
0x137: {  	s4 =	sshll.u32 s3, $0xB;
	s3 =	sshll.u32 s3, $0x7  }
0x138: {  	s4 =	sand.u32 $0xFFFFC000, s4;
	s3 =	sand.u32 $0x380, s3  }
0x139: {  	s3 =	sor.u32 s3, s4  }
0x13a: {  	s3 =	sshrl.u32 s3, $0x3  }
0x13b: {  	s3 =	sadd.s32 s20, s3  }
0x13c: {  	[spmem:s5@s7], [sflag:s2] =	dma.strided [hbm:s3@s7], $0x100, s9, $0x10   }
0x13d: {  	(v2sf) =	vpush v0, $0xF;
	_ =	sdelay $0xe  }
0x13e: {  	s3 =	spop (v2sf)  }
0x13f: {  	s4 =	sshll.u32 s3, $0xB;
	s3 =	sshll.u32 s3, $0x7  }
0x140: {  	s4 =	sand.u32 $0xFFFFC000, s4;
	s3 =	sand.u32 $0x380, s3  }
0x141: {  	s3 =	sor.u32 s3, s4  }
0x142: {  	s3 =	sshrl.u32 s3, $0x3  }
0x143: {  	s3 =	sadd.s32 s20, s3  }
0x144: {  	[spmem:s6@s7], [sflag:s2] =	dma.strided [hbm:s3@s7], $0x100, s9, $0x10   }
0x145: {  	_ =	swait.ge [sflag:s9], $0x1000  }
0x146: {  	[sflag:s9] =	ssyncset.done $0x0;
	s3 =	rddreg [dreg:$0x17]  }
0x147: {  	s4 =	sor.u32 $0x1C03, s14;
	[sflag:s9] =	ssyncadd.s32 $0xFFFFF000;
	s2 =	sadd.s32 s0, s3  }
0x148: {  	[hbm:s2], [sflag:s4] =	dma.local [spmem:s16], $0x1000  }
0x149: {  	_ =	swait.ge [sflag:s10], $0x1000  }
0x14a: {  	p0 =	seq.s32 s0, $0x1E000;
	s2 =	sadd.s32 $0x1000, s2;
	[sflag:s10] =	ssyncset.done $0x0  }
.Ltmp2:
0x14b: {  	s4 =	sor.u32 $0x1C04, s14;
	[sflag:s10] =	ssyncadd.s32 $0xFFFFF000;
	(pc) =	sbr.rel @p0 .LBB2_4-.Ltmp2, $4  }
0x14c: {  	[hbm:s2], [sflag:s4] =	dma.local [spmem:s23], $0x1000  }
0x14d: {  	_ =	swait.ge [sflag:s11], $0x1000  }
0x14e: {  	[sflag:s11] =	ssyncset.done $0x0  }
0x14f: {  	[sflag:s11] =	ssyncadd.s32 $0xFFFFF000  }
0x150: {  	v0 =	vld [tilespmem:s1+$0x0];
	_ =	sdelay $0x4  }
0x151: {  	(v2sf) =	vpush v0, $0x0;
	_ =	sdelay $0xe  }
0x152: {  	s2 =	spop (v2sf)  }
0x153: {  	s3 =	sshll.u32 s2, $0xB;
	s2 =	sshll.u32 s2, $0x7  }
0x154: {  	s3 =	sand.u32 $0xFFFFC000, s3;
	s2 =	sand.u32 $0x380, s2  }
0x155: {  	s2 =	sor.u32 s2, s3  }
0x156: {  	s2 =	sshrl.u32 s2, $0x3  }
0x157: {  	s2 =	sadd.s32 s20, s2  }
0x158: {  	[spmem:s16@s7], [sflag:s15] =	dma.strided [hbm:s2@s7], $0x100, s9, $0x10   }
0x159: {  	(v2sf) =	vpush v0, $0x1;
	_ =	sdelay $0xe  }
0x15a: {  	s2 =	spop (v2sf)  }
0x15b: {  	s4 =	sshll.u32 s2, $0xB;
	s2 =	sshll.u32 s2, $0x7  }
0x15c: {  	s3 =	sand.u32 $0xFFFFC000, s4;
	s2 =	sand.u32 $0x380, s2  }
0x15d: {  	s2 =	sor.u32 s2, s3  }
0x15e: {  	s2 =	sshrl.u32 s2, $0x3  }
0x15f: {  	s2 =	sadd.s32 s20, s2  }
0x160: {  	[spmem:s17@s7], [sflag:s15] =	dma.strided [hbm:s2@s7], $0x100, s9, $0x10   }
0x161: {  	(v2sf) =	vpush v0, $0x2;
	_ =	sdelay $0xe  }
0x162: {  	s2 =	spop (v2sf)  }
0x163: {  	s4 =	sshll.u32 s2, $0xB;
	s2 =	sshll.u32 s2, $0x7  }
0x164: {  	s3 =	sand.u32 $0xFFFFC000, s4;
	s2 =	sand.u32 $0x380, s2  }
0x165: {  	s2 =	sor.u32 s2, s3  }
0x166: {  	s2 =	sshrl.u32 s2, $0x3  }
0x167: {  	s2 =	sadd.s32 s20, s2  }
0x168: {  	[spmem:s18@s7], [sflag:s15] =	dma.strided [hbm:s2@s7], $0x100, s9, $0x10   }
0x169: {  	(v2sf) =	vpush v0, $0x3;
	_ =	sdelay $0xe  }
0x16a: {  	s2 =	spop (v2sf)  }
0x16b: {  	s4 =	sshll.u32 s2, $0xB;
	s2 =	sshll.u32 s2, $0x7  }
0x16c: {  	s3 =	sand.u32 $0xFFFFC000, s4;
	s2 =	sand.u32 $0x380, s2  }
0x16d: {  	s2 =	sor.u32 s2, s3  }
0x16e: {  	s2 =	sshrl.u32 s2, $0x3  }
0x16f: {  	s2 =	sadd.s32 s20, s2  }
0x170: {  	[spmem:s22@s7], [sflag:s15] =	dma.strided [hbm:s2@s7], $0x100, s9, $0x10   }
0x171: {  	(v2sf) =	vpush v0, $0x4;
	_ =	sdelay $0xe  }
0x172: {  	s2 =	spop (v2sf)  }
0x173: {  	s4 =	sshll.u32 s2, $0xB;
	s2 =	sshll.u32 s2, $0x7  }
0x174: {  	s3 =	sand.u32 $0xFFFFC000, s4;
	s2 =	sand.u32 $0x380, s2  }
0x175: {  	s2 =	sor.u32 s2, s3  }
0x176: {  	s2 =	sshrl.u32 s2, $0x3  }
0x177: {  	s2 =	sadd.s32 s20, s2  }
0x178: {  	[spmem:s8@s7], [sflag:s15] =	dma.strided [hbm:s2@s7], $0x100, s9, $0x10   }
0x179: {  	(v2sf) =	vpush v0, $0x5;
	_ =	sdelay $0xe  }
0x17a: {  	s2 =	spop (v2sf)  }
0x17b: {  	s4 =	sshll.u32 s2, $0xB;
	s2 =	sshll.u32 s2, $0x7  }
0x17c: {  	s3 =	sand.u32 $0xFFFFC000, s4;
	s2 =	sand.u32 $0x380, s2  }
0x17d: {  	s2 =	sor.u32 s2, s3  }
0x17e: {  	s2 =	sshrl.u32 s2, $0x3  }
0x17f: {  	s2 =	sadd.s32 s20, s2  }
0x180: {  	[spmem:s12@s7], [sflag:s15] =	dma.strided [hbm:s2@s7], $0x100, s9, $0x10   }
0x181: {  	(v2sf) =	vpush v0, $0x6;
	_ =	sdelay $0xe  }
0x182: {  	s2 =	spop (v2sf)  }
0x183: {  	s4 =	sshll.u32 s2, $0xB;
	s2 =	sshll.u32 s2, $0x7  }
0x184: {  	s3 =	sand.u32 $0xFFFFC000, s4;
	s2 =	sand.u32 $0x380, s2  }
0x185: {  	s2 =	sor.u32 s2, s3  }
0x186: {  	s2 =	sshrl.u32 s2, $0x3  }
0x187: {  	s2 =	sadd.s32 s20, s2  }
0x188: {  	[spmem:s13@s7], [sflag:s15] =	dma.strided [hbm:s2@s7], $0x100, s9, $0x10   }
0x189: {  	(v2sf) =	vpush v0, $0x7;
	_ =	sdelay $0xe  }
0x18a: {  	s2 =	spop (v2sf)  }
0x18b: {  	s4 =	sshll.u32 s2, $0xB;
	s2 =	sshll.u32 s2, $0x7  }
0x18c: {  	s3 =	sand.u32 $0xFFFFC000, s4;
	s2 =	sand.u32 $0x380, s2  }
0x18d: {  	s2 =	sor.u32 s2, s3  }
0x18e: {  	s2 =	sshrl.u32 s2, $0x3  }
0x18f: {  	s2 =	sadd.s32 s20, s2  }
0x190: {  	[spmem:s21@s7], [sflag:s15] =	dma.strided [hbm:s2@s7], $0x100, s9, $0x10   }
0x191: {  	(v2sf) =	vpush v0, $0x8;
	_ =	sdelay $0xe  }
0x192: {  	s2 =	spop (v2sf)  }
0x193: {  	s4 =	sshll.u32 s2, $0xB;
	s2 =	sshll.u32 s2, $0x7  }
0x194: {  	s3 =	sand.u32 $0xFFFFC000, s4;
	s2 =	sand.u32 $0x380, s2  }
0x195: {  	s2 =	sor.u32 s2, s3  }
0x196: {  	s2 =	sshrl.u32 s2, $0x3  }
0x197: {  	s2 =	sadd.s32 s20, s2  }
0x198: {  	[spmem:s24@s7], [sflag:s15] =	dma.strided [hbm:s2@s7], $0x100, s9, $0x10   }
0x199: {  	(v2sf) =	vpush v0, $0x9;
	_ =	sdelay $0xe  }
0x19a: {  	s2 =	spop (v2sf)  }
0x19b: {  	s4 =	sshll.u32 s2, $0xB;
	s2 =	sshll.u32 s2, $0x7  }
0x19c: {  	s3 =	sand.u32 $0xFFFFC000, s4;
	s2 =	sand.u32 $0x380, s2  }
0x19d: {  	s2 =	sor.u32 s2, s3  }
0x19e: {  	s2 =	sshrl.u32 s2, $0x3  }
0x19f: {  	s2 =	sadd.s32 s20, s2  }
0x1a0: {  	[spmem:s25@s7], [sflag:s15] =	dma.strided [hbm:s2@s7], $0x100, s9, $0x10   }
0x1a1: {  	(v2sf) =	vpush v0, $0xA;
	_ =	sdelay $0xe  }
0x1a2: {  	s2 =	spop (v2sf)  }
0x1a3: {  	s4 =	sshll.u32 s2, $0xB;
	s2 =	sshll.u32 s2, $0x7  }
0x1a4: {  	s3 =	sand.u32 $0xFFFFC000, s4;
	s2 =	sand.u32 $0x380, s2  }
0x1a5: {  	s2 =	sor.u32 s2, s3  }
0x1a6: {  	s2 =	sshrl.u32 s2, $0x3  }
0x1a7: {  	s2 =	sadd.s32 s20, s2  }
0x1a8: {  	[spmem:s26@s7], [sflag:s15] =	dma.strided [hbm:s2@s7], $0x100, s9, $0x10   }
0x1a9: {  	(v2sf) =	vpush v0, $0xB;
	_ =	sdelay $0xe  }
0x1aa: {  	s2 =	spop (v2sf)  }
0x1ab: {  	s4 =	sshll.u32 s2, $0xB;
	s2 =	sshll.u32 s2, $0x7  }
0x1ac: {  	s3 =	sand.u32 $0xFFFFC000, s4;
	s2 =	sand.u32 $0x380, s2  }
0x1ad: {  	s2 =	sor.u32 s2, s3  }
0x1ae: {  	s2 =	sshrl.u32 s2, $0x3  }
0x1af: {  	s2 =	sadd.s32 s20, s2  }
0x1b0: {  	[spmem:s28@s7], [sflag:s15] =	dma.strided [hbm:s2@s7], $0x100, s9, $0x10   }
0x1b1: {  	(v2sf) =	vpush v0, $0xC;
	_ =	sdelay $0xe  }
0x1b2: {  	s2 =	spop (v2sf)  }
0x1b3: {  	s4 =	sshll.u32 s2, $0xB;
	s2 =	sshll.u32 s2, $0x7  }
0x1b4: {  	s3 =	sand.u32 $0xFFFFC000, s4;
	s2 =	sand.u32 $0x380, s2  }
0x1b5: {  	s2 =	sor.u32 s2, s3  }
0x1b6: {  	s2 =	sshrl.u32 s2, $0x3  }
0x1b7: {  	s2 =	sadd.s32 s20, s2  }
0x1b8: {  	[spmem:s29@s7], [sflag:s15] =	dma.strided [hbm:s2@s7], $0x100, s9, $0x10   }
0x1b9: {  	(v2sf) =	vpush v0, $0xD;
	_ =	sdelay $0xe  }
0x1ba: {  	s2 =	spop (v2sf)  }
0x1bb: {  	s4 =	sshll.u32 s2, $0xB;
	s2 =	sshll.u32 s2, $0x7  }
0x1bc: {  	s3 =	sand.u32 $0xFFFFC000, s4;
	s2 =	sand.u32 $0x380, s2  }
0x1bd: {  	s2 =	sor.u32 s2, s3  }
0x1be: {  	s2 =	sshrl.u32 s2, $0x3  }
0x1bf: {  	s2 =	sadd.s32 s20, s2  }
0x1c0: {  	[spmem:s30@s7], [sflag:s15] =	dma.strided [hbm:s2@s7], $0x100, s9, $0x10   }
0x1c1: {  	(v2sf) =	vpush v0, $0xE;
	_ =	sdelay $0xe  }
0x1c2: {  	s2 =	spop (v2sf)  }
0x1c3: {  	s4 =	sshll.u32 s2, $0xB;
	s2 =	sshll.u32 s2, $0x7  }
0x1c4: {  	s3 =	sand.u32 $0xFFFFC000, s4;
	s2 =	sand.u32 $0x380, s2  }
0x1c5: {  	s2 =	sor.u32 s2, s3  }
0x1c6: {  	s2 =	sshrl.u32 s2, $0x3  }
0x1c7: {  	s2 =	sadd.s32 s20, s2  }
0x1c8: {  	[spmem:s31@s7], [sflag:s15] =	dma.strided [hbm:s2@s7], $0x100, s9, $0x10   }
0x1c9: {  	(v2sf) =	vpush v0, $0xF;
	_ =	sdelay $0xe  }
0x1ca: {  	s2 =	spop (v2sf)  }
0x1cb: {  	s4 =	sshll.u32 s2, $0xB;
	s2 =	sshll.u32 s2, $0x7  }
.Ltmp3:
0x1cc: {  	s3 =	sand.u32 $0xFFFFC000, s4;
	s2 =	sand.u32 $0x380, s2;
	(pc) =	sbr.rel .LBB2_2-.Ltmp3, $4  }
0x1cd: {  	s2 =	sor.u32 s2, s3  }
0x1ce: {  	s2 =	sshrl.u32 s2, $0x3  }
0x1cf: {  	s0 =	sadd.s32 $0x2000, s0;
	s1 =	sadd.s32 $0x20, s1;
	s2 =	sadd.s32 s20, s2  }
0x1d0: {  	[spmem:s19@s7], [sflag:s15] =	dma.strided [hbm:s2@s7], $0x100, s9, $0x10   }
.LBB2_5:
0x1d1: {  	_ =	sfence.sel $0x180000  }
0x1d2: {  	[bflag:$0x0] =	sbarrier.arrive $0xFFFF  }
0x1d3: {  	_ =	strace $0x90000047  }
0x1d4: {  	s0 =	stileid.u32;
	[bflag:$0x2] =	sbarrier.arrive $0xFFFF  }
0x1d5: {  	p0 =	sne.s32 s0, $0x0;
	s0 =	rddreg [dreg:$0x5]  }
0x1d6: {  	s0 =	sadd.s32 @!p0 $0x100000, s0  }
0x1d7: {  	[sflag:s0] =	ssyncadd.tile.s32 @!p0 $0x1;
	_ =	shalt  }
.Lfunc_end2:
_tile_overlayer_lowered:
.L_overlay_start_2:
0x1d8: {  	(tag) =	ssettag $0x2  }
0x1d9: {  	s0 =	rddreg [dreg:$0x0];
	s2 =	stileid.u32  }
0x1da: {  	s1 =	rddreg [dreg:$0x1];
	p0 =	sne.s32 s2, $0x0  }
0x1db: {  	s3 =	rddreg [dreg:$0x2];
	[bflag:$0x3] =	sbarrier.arrive $0xFFFF;
	s2 =	simm.s32 @!p0 $0x1C05  }
0x1dc: {  	[timem:s3], [sflag:s2] =	dma.local @!p0 [hbm:s0], s1  }
0x1dd: {  	s0 =	simm.s32 @!p0 $0x5  }
0x1de: {  	_ =	swait.ge @!p0 [sflag:s0], s1  }
0x1df: {  	s1 =	ssub.s32 @!p0 $0x0, s1;
	[sflag:s0] =	ssyncset.done @!p0 $0x0  }
0x1e0: {  	[sflag:s0] =	ssyncadd.s32 @!p0 s1  }
0x1e1: {  	[bflag:$0x3] =	sbarrier.arrive $0xFFFF  }
0x1e2: {  	_ =	shalt  }

</sc_bundles>
